<compile_context>
chip_gen: v7x
topology: tpu7x:2x2x1
jax: 0.10.2.dev20260603
libtpu: 0.0.44.dev20260713+nightly
codegen_flags: <defaults>
</compile_context>

<pallas_src>
import functools

import jax
import jax.numpy as jnp
from jax import lax
from jax.experimental import pallas as pl
from jax.experimental.pallas import tpu as pltpu
from jax.experimental.pallas import tpu_sc as plsc

N_NODES = 10000
N_EDGES = 320000
D = 128

NC = 2
NS = 16
NW = NC * NS

CH = 128
NCHUNKS = N_EDGES // CH
NCH = NCHUNKS // NW
NXTRA = NCHUNKS - NCH * NW
N_PAD = 10240
ROWS_PER_TILE = N_PAD // NS

PIPE_ITERS = 12


def _sc_body(x_hbm, ei_hbm, part_hbm, dstage_hbm,
             accum_sp,
             ix0, r0, ix1, r1, ix2,
             ixr_v, dloc_v,
             sem_i, sem_g, sem_s):
    c = lax.axis_index("c")
    s = lax.axis_index("s")
    wid = c * NS + s

    zero16 = jnp.zeros((16,), jnp.float32)
    one16 = jnp.ones((16,), jnp.float32)

    def zero_r0(i, carry):
        for k in range(8):
            r0[i, pl.ds(k * 16, 16)] = zero16
        return carry
    lax.fori_loop(0, CH, zero_r0, 0)

    for k in range(5):
        off = pl.multiple_of(s * ROWS_PER_TILE + k * 128, 8)
        pltpu.sync_copy(r0, accum_sp.at[pl.ds(off, 128)])

    def zero_dloc(i, carry):
        dloc_v[pl.ds(pl.multiple_of(i * 16, 16), 16)] = zero16
        return carry
    lax.fori_loop(0, N_PAD // 16, zero_dloc, 0)

    plsc.subcore_barrier()

    def chunk_off(j):
        return pl.multiple_of((wid + NW * j) * CH, 128)

    def start_idx(j, ix):
        pltpu.async_copy(ei_hbm.at[:, pl.ds(chunk_off(j), CH)], ix, sem_i)

    def wait_idx(ix):
        pltpu.make_async_copy(ei_hbm.at[:, pl.ds(0, CH)], ix, sem_i).wait()

    def start_gather(ix, r):
        pltpu.async_copy(x_hbm.at[ix.at[0]], r, sem_g)

    def wait_gather(r):
        pltpu.make_async_copy(x_hbm.at[pl.ds(0, CH)], r, sem_g).wait()

    def start_scatter(r, ix):
        pltpu.async_copy(r, accum_sp.at[ix.at[1]], sem_s, add=True)

    def wait_scatter(r, ix):
        pltpu.make_async_copy(r, accum_sp.at[ix.at[1]], sem_s).wait()

    def hist(ix):
        for k in range(8):
            idx16 = ix[1, pl.ds(k * 16, 16)]
            plsc.addupdate_scatter(dloc_v, [idx16], one16)

    R = (r0, r1)
    I = (ix0, ix1, ix2)

    def step(j, pr, pi, wait_scat=True, start_nxt=True, idx2=True):
        rcur, rnxt = R[pr], R[1 - pr]
        icur, inxt, inxt2 = I[pi], I[(pi + 1) % 3], I[(pi + 2) % 3]
        wait_gather(rcur)
        if start_nxt:
            wait_idx(inxt)
        if wait_scat:
            wait_scatter(rnxt, inxt2)
        if start_nxt:
            start_gather(inxt, rnxt)
        start_scatter(rcur, icur)
        if idx2:
            start_idx(j + 2, inxt2)
        hist(icur)

    start_idx(0, ix0)
    wait_idx(ix0)
    start_gather(ix0, r0)
    start_idx(1, ix1)
    step(0, 0, 0, wait_scat=False)

    def pipe(m, carry):
        j = 6 * m + 1
        step(j + 0, 1, 1)
        step(j + 1, 0, 2)
        step(j + 2, 1, 0)
        step(j + 3, 0, 1)
        step(j + 4, 1, 2)
        step(j + 5, 0, 0)
        return carry
    lax.fori_loop(0, PIPE_ITERS, pipe, 0)

    step(73, 1, 1)
    step(74, 0, 2)
    step(75, 1, 0)
    step(76, 0, 1, idx2=False)
    step(77, 1, 2, start_nxt=False, idx2=False)
    wait_scatter(r1, ix2)

    @pl.when(wid < NXTRA)
    def _():
        offr = pl.multiple_of((NCH * NW + wid) * CH, 128)
        pltpu.sync_copy(ei_hbm.at[:, pl.ds(offr, CH)], ixr_v)
        pltpu.async_copy(x_hbm.at[ixr_v.at[0]], r0, sem_g).wait()
        pltpu.sync_copy(r0, accum_sp.at[ixr_v.at[1]], add=True)
        for k in range(8):
            idx16 = ixr_v[1, pl.ds(k * 16, 16)]
            plsc.addupdate_scatter(dloc_v, [idx16], one16)

    doff = pl.multiple_of(wid * N_PAD, 8)
    pltpu.sync_copy(dloc_v, dstage_hbm.at[pl.ds(doff, N_PAD)])

    plsc.subcore_barrier()

    off = pl.multiple_of(s * ROWS_PER_TILE, 8)
    pltpu.sync_copy(accum_sp.at[pl.ds(off, ROWS_PER_TILE)],
                    part_hbm.at[c, pl.ds(off, ROWS_PER_TILE)])


@functools.partial(
    pl.kernel,
    out_type=[
        jax.ShapeDtypeStruct((NC, N_PAD, D), jnp.float32),
        jax.ShapeDtypeStruct((NW * N_PAD,), jnp.float32),
    ],
    mesh=plsc.VectorSubcoreMesh(core_axis_name="c", subcore_axis_name="s",
                                num_cores=NC),
    compiler_params=pltpu.CompilerParams(needs_layout_passes=False),
    scratch_types=[
        pltpu.VMEM_SHARED((N_PAD, D), jnp.float32),
        pltpu.VMEM((2, CH), jnp.int32),
        pltpu.VMEM((CH, D), jnp.float32),
        pltpu.VMEM((2, CH), jnp.int32),
        pltpu.VMEM((CH, D), jnp.float32),
        pltpu.VMEM((2, CH), jnp.int32),
        pltpu.VMEM((2, CH), jnp.int32),
        pltpu.VMEM((N_PAD,), jnp.float32),
        pltpu.SemaphoreType.DMA,
        pltpu.SemaphoreType.DMA,
        pltpu.SemaphoreType.DMA,
    ],
)
def _sc_aggregate(x, edge_index, part_out, dstage_out, *scratch):
    _sc_body(x, edge_index, part_out, dstage_out, *scratch)


ROWS_BLK = 2048
GRID = N_PAD // ROWS_BLK


def _tc_body(x_ref, p_ref, dg_ref, ws_ref, wn_ref, bs_ref, bn_ref, o_ref):
    dsum = jnp.sum(dg_ref[...], axis=0, keepdims=True)
    inv_row = 1.0 / jnp.maximum(dsum, 1.0)
    inv_col = jnp.reshape(inv_row, (ROWS_BLK, 1))
    psum = p_ref[0] + p_ref[1]
    dn = (((1,), (1,)), ((), ()))
    o_ref[...] = (
        lax.dot_general(x_ref[...], ws_ref[...], dn,
                        preferred_element_type=jnp.float32)
        + lax.dot_general(psum, wn_ref[...], dn,
                          preferred_element_type=jnp.float32) * inv_col
        + bs_ref[...] + bn_ref[...]
    )


_tc_combine = pl.pallas_call(
    _tc_body,
    grid=(GRID,),
    in_specs=[
        pl.BlockSpec((ROWS_BLK, D), lambda i: (i, 0)),
        pl.BlockSpec((NC, ROWS_BLK, D), lambda i: (0, i, 0)),
        pl.BlockSpec((NW, ROWS_BLK), lambda i: (0, i)),
        pl.BlockSpec((D, D), lambda i: (0, 0)),
        pl.BlockSpec((D, D), lambda i: (0, 0)),
        pl.BlockSpec((1, D), lambda i: (0, 0)),
        pl.BlockSpec((1, D), lambda i: (0, 0)),
    ],
    out_specs=pl.BlockSpec((ROWS_BLK, D), lambda i: (i, 0)),
    out_shape=jax.ShapeDtypeStruct((N_NODES, D), jnp.float32),
)


def kernel(x, edge_index, W_self, b_self, W_neigh, b_neigh):
    parts, dstage = _sc_aggregate(x, edge_index)
    out = _tc_combine(
        x, parts, dstage.reshape(NW, N_PAD),
        W_self, W_neigh,
        b_self[None, :], b_neigh[None, :],
    )
    return out

# --- scband reference (transcript-rebuilt; emitter-appended) ---
"""Pipeline reference for scband-sageconv-77214922048102 (READ-ONLY COPY).

The authoritative reference and input builder live on the scoring server;
editing this copy changes nothing except your own understanding.
"""

import jax, jax.numpy as jnp
import numpy as np

N_NODES = 10000
N_EDGES = 320000
D_IN = 128
D_OUT = 128


def setup_inputs(seed: int = 0) -> dict:
    key = jax.random.key(seed)
    k1, k2, k3, k4, k5, k6 = jax.random.split(key, 6)
    x = jax.random.normal(k1, (N_NODES, D_IN), dtype=jnp.float32)
    edge_index = jax.random.randint(k2, (2, N_EDGES), 0, N_NODES, dtype=jnp.int32)
    # Learned parameters (fc_self and fc_neigh linear layers, glorot-ish init)
    W_self = jax.random.normal(k3, (D_OUT, D_IN), dtype=jnp.float32) * (1.0 / np.sqrt(D_IN))
    b_self = jnp.zeros((D_OUT,), dtype=jnp.float32)
    W_neigh = jax.random.normal(k4, (D_OUT, D_IN), dtype=jnp.float32) * (1.0 / np.sqrt(D_IN))
    b_neigh = jnp.zeros((D_OUT,), dtype=jnp.float32)
    return {"x": x, "edge_index": edge_index, "W_self": W_self, "b_self": b_self, "W_neigh": W_neigh, "b_neigh": b_neigh}


def reference(x, edge_index, W_self, b_self, W_neigh, b_neigh):
    # SAGEConv forward: aggregator_type='mean', combine_type='sum', include=True,
    # feat_drop=0.0 (identity), no activation, no norm.
    src = edge_index[0]
    dst = edge_index[1]
    # copy_src('h','m') then mean('m','neigh'): gather source features, scatter-mean to dst
    msg = jnp.take(x, src, axis=0)                                   # gather [E, D_IN]
    summed = jax.ops.segment_sum(msg, dst, num_segments=N_NODES)      # scatter-add [N, D_IN]
    deg = jax.ops.segment_sum(jnp.ones((msg.shape[0],), dtype=x.dtype), dst, num_segments=N_NODES)
    h_neigh = summed / jnp.maximum(deg, 1.0)[:, None]                 # mean (0 where no in-edges)
    h_self = x
    # rst = (1 + 0) * fc_self(h_self) + fc_neigh(h_neigh)
    rst = (h_self @ W_self.T + b_self) + (h_neigh @ W_neigh.T + b_neigh)
    return rst

if __name__ == "__main__":
    import jax
    _d = setup_inputs()
    print(jax.jit(kernel)(*tuple(_d.values())))

</pallas_src>

<mosaic_0001>
#map = affine_map<(d0, d1) -> (0, 0)>
#map1 = affine_map<(d0, d1) -> (0, 0, 0)>
#map2 = affine_map<(d0, d1) -> (0)>
module attributes {stable_mosaic.version = 14 : i64} {
  func.func @_sc_aggregate(%arg0: i32, %arg1: i32, %arg2: memref<10000x128xf32, #tpu.memory_space<hbm>>, %arg3: memref<2x320000xi32, #tpu.memory_space<hbm>>, %arg4: memref<2x10240x128xf32, #tpu.memory_space<hbm>>, %arg5: memref<327680xf32, #tpu.memory_space<hbm>>, %arg6: memref<10240x128xf32, #tpu.memory_space<vmem_shared>>, %arg7: memref<2x128xi32, #tpu.memory_space<vmem>>, %arg8: memref<128x128xf32, #tpu.memory_space<vmem>>, %arg9: memref<2x128xi32, #tpu.memory_space<vmem>>, %arg10: memref<128x128xf32, #tpu.memory_space<vmem>>, %arg11: memref<2x128xi32, #tpu.memory_space<vmem>>, %arg12: memref<2x128xi32, #tpu.memory_space<vmem>>, %arg13: memref<10240xf32, #tpu.memory_space<vmem>>, %arg14: memref<!tpu.dma_semaphore, #tpu.memory_space<semaphore_mem>>, %arg15: memref<!tpu.dma_semaphore, #tpu.memory_space<semaphore_mem>>, %arg16: memref<!tpu.dma_semaphore, #tpu.memory_space<semaphore_mem>>) attributes {dimension_semantics = [#tpu.dimension_semantics<core_parallel>, #tpu.dimension_semantics<subcore_parallel>], iteration_bounds = array<i64: 2, 16>, scalar_prefetch = 0 : i64, scratch_operands = 11 : i64, tpu.core_type = #tpu.core_type<sc_vector_subcore>, window_params = [{transform_indices = #map}, {transform_indices = #map}, {transform_indices = #map1}, {transform_indices = #map2}]} {
    %mul3A = arith.constant 16 : i32
    %mul3A_0 = arith.muli %arg0, %mul3A : i32
    %add3A = arith.addi %mul3A_0, %arg1 : i32
    %broadcast_in_dim3A = arith.constant 0.000000e+00 : f32
    %broadcast_in_dim3A_1 = vector.broadcast %broadcast_in_dim3A : f32 to vector<16xf32>
    %broadcast_in_dim3A_2 = arith.constant 1.000000e+00 : f32
    %broadcast_in_dim3A_3 = vector.broadcast %broadcast_in_dim3A_2 : f32 to vector<16xf32>
    %scan3A = arith.constant 0 : i32
    %scan3A_4 = arith.constant 0 : i32
    %scan3A_5 = arith.constant 128 : i32
    %scan3A_6 = arith.addi %scan3A_4, %scan3A_5 : i32
    %scan3A_7 = arith.constant 1 : i32
    scf.for %scan3A_495 = %scan3A_4 to %scan3A_6 step %scan3A_7  : i32 {
      %swap3A = arith.index_cast %scan3A_495 : i32 to index
      %swap3A_496 = arith.constant 0 : index
      %swap3A_497 = tpu.vector_load %arg8[%swap3A, %swap3A_496] {strides = array<i32>} : memref<128x128xf32, #tpu.memory_space<vmem>>, vector<16xf32>,
      tpu.vector_store %arg8[%swap3A, %swap3A_496], %broadcast_in_dim3A_1 {strides = array<i32>} : memref<128x128xf32, #tpu.memory_space<vmem>>, vector<16xf32>,
      %swap3A_498 = arith.index_cast %scan3A_495 : i32 to index
      %swap3A_499 = arith.constant 16 : index
      %swap3A_500 = tpu.vector_load %arg8[%swap3A_498, %swap3A_499] {strides = array<i32>} : memref<128x128xf32, #tpu.memory_space<vmem>>, vector<16xf32>,
      tpu.vector_store %arg8[%swap3A_498, %swap3A_499], %broadcast_in_dim3A_1 {strides = array<i32>} : memref<128x128xf32, #tpu.memory_space<vmem>>, vector<16xf32>,
      %swap3A_501 = arith.index_cast %scan3A_495 : i32 to index
      %swap3A_502 = arith.constant 32 : index
      %swap3A_503 = tpu.vector_load %arg8[%swap3A_501, %swap3A_502] {strides = array<i32>} : memref<128x128xf32, #tpu.memory_space<vmem>>, vector<16xf32>,
      tpu.vector_store %arg8[%swap3A_501, %swap3A_502], %broadcast_in_dim3A_1 {strides = array<i32>} : memref<128x128xf32, #tpu.memory_space<vmem>>, vector<16xf32>,
      %swap3A_504 = arith.index_cast %scan3A_495 : i32 to index
      %swap3A_505 = arith.constant 48 : index
      %swap3A_506 = tpu.vector_load %arg8[%swap3A_504, %swap3A_505] {strides = array<i32>} : memref<128x128xf32, #tpu.memory_space<vmem>>, vector<16xf32>,
      tpu.vector_store %arg8[%swap3A_504, %swap3A_505], %broadcast_in_dim3A_1 {strides = array<i32>} : memref<128x128xf32, #tpu.memory_space<vmem>>, vector<16xf32>,
      %swap3A_507 = arith.index_cast %scan3A_495 : i32 to index
      %swap3A_508 = arith.constant 64 : index
      %swap3A_509 = tpu.vector_load %arg8[%swap3A_507, %swap3A_508] {strides = array<i32>} : memref<128x128xf32, #tpu.memory_space<vmem>>, vector<16xf32>,
      tpu.vector_store %arg8[%swap3A_507, %swap3A_508], %broadcast_in_dim3A_1 {strides = array<i32>} : memref<128x128xf32, #tpu.memory_space<vmem>>, vector<16xf32>,
      %swap3A_510 = arith.index_cast %scan3A_495 : i32 to index
      %swap3A_511 = arith.constant 80 : index
      %swap3A_512 = tpu.vector_load %arg8[%swap3A_510, %swap3A_511] {strides = array<i32>} : memref<128x128xf32, #tpu.memory_space<vmem>>, vector<16xf32>,
      tpu.vector_store %arg8[%swap3A_510, %swap3A_511], %broadcast_in_dim3A_1 {strides = array<i32>} : memref<128x128xf32, #tpu.memory_space<vmem>>, vector<16xf32>,
      %swap3A_513 = arith.index_cast %scan3A_495 : i32 to index
      %swap3A_514 = arith.constant 96 : index
      %swap3A_515 = tpu.vector_load %arg8[%swap3A_513, %swap3A_514] {strides = array<i32>} : memref<128x128xf32, #tpu.memory_space<vmem>>, vector<16xf32>,
      tpu.vector_store %arg8[%swap3A_513, %swap3A_514], %broadcast_in_dim3A_1 {strides = array<i32>} : memref<128x128xf32, #tpu.memory_space<vmem>>, vector<16xf32>,
      %swap3A_516 = arith.index_cast %scan3A_495 : i32 to index
      %swap3A_517 = arith.constant 112 : index
      %swap3A_518 = tpu.vector_load %arg8[%swap3A_516, %swap3A_517] {strides = array<i32>} : memref<128x128xf32, #tpu.memory_space<vmem>>, vector<16xf32>,
      tpu.vector_store %arg8[%swap3A_516, %swap3A_517], %broadcast_in_dim3A_1 {strides = array<i32>} : memref<128x128xf32, #tpu.memory_space<vmem>>, vector<16xf32>,
    }
    %scan3A_8 = arith.constant 128 : i32
    %mul3A_9 = arith.constant 640 : i32
    %mul3A_10 = arith.muli %arg1, %mul3A_9 : i32
    %add3A_11 = arith.constant 0 : i32
    %add3A_12 = arith.addi %mul3A_10, %add3A_11 : i32
    %multiple_of3A = tpu.assume_multiple %add3A_12, 8 : i32
    "tpu.region"() ({
      %run_scoped3A = tpu.sem_alloc : memref<!tpu.dma_semaphore, #tpu.memory_space<semaphore_mem>>
      %dma_start3A_495 = arith.constant 0 : i32
      %dma_start3A_496 = tpu.memref_slice %arg6[%multiple_of3A, %dma_start3A_495] : memref<10240x128xf32, #tpu.memory_space<vmem_shared>> -> memref<128x128xf32, #tpu.memory_space<vmem_shared>>
      %dma_start3A_497 = arith.constant 0 : i32
      %dma_start3A_498 = tpu.memref_slice %arg6[%multiple_of3A, %dma_start3A_497] : memref<10240x128xf32, #tpu.memory_space<vmem_shared>> -> memref<128x128xf32, #tpu.memory_space<vmem_shared>>
      tpu.enqueue_dma source(%arg8 : memref<128x128xf32, #tpu.memory_space<vmem>>) target(%dma_start3A_498 : memref<128x128xf32, #tpu.memory_space<vmem_shared>>) target_semaphore(%run_scoped3A : memref<!tpu.dma_semaphore, #tpu.memory_space<semaphore_mem>>)
      %dma_wait3A_499 = arith.constant 0 : i32
      %dma_wait3A_500 = tpu.memref_slice %arg6[%multiple_of3A, %dma_wait3A_499] : memref<10240x128xf32, #tpu.memory_space<vmem_shared>> -> memref<128x128xf32, #tpu.memory_space<vmem_shared>>
      %dma_wait3A_501 = arith.constant 0 : i32
      %dma_wait3A_502 = tpu.memref_slice %arg6[%multiple_of3A, %dma_wait3A_501] : memref<10240x128xf32, #tpu.memory_space<vmem_shared>> -> memref<128x128xf32, #tpu.memory_space<vmem_shared>>
      tpu.wait_dma2 semaphore(%run_scoped3A : memref<!tpu.dma_semaphore, #tpu.memory_space<semaphore_mem>>) src(%arg8 : memref<128x128xf32, #tpu.memory_space<vmem>>) dst(%dma_wait3A_502 : memref<128x128xf32, #tpu.memory_space<vmem_shared>>)
      tpu.yield
    }) : () -> ()
    %mul3A_13 = arith.constant 640 : i32
    %mul3A_14 = arith.muli %arg1, %mul3A_13 : i32
    %add3A_15 = arith.constant 128 : i32
    %add3A_16 = arith.addi %mul3A_14, %add3A_15 : i32
    %multiple_of3A_17 = tpu.assume_multiple %add3A_16, 8 : i32
    "tpu.region"() ({
      %run_scoped3A = tpu.sem_alloc : memref<!tpu.dma_semaphore, #tpu.memory_space<semaphore_mem>>
      %dma_start3A_495 = arith.constant 0 : i32
      %dma_start3A_496 = tpu.memref_slice %arg6[%multiple_of3A_17, %dma_start3A_495] : memref<10240x128xf32, #tpu.memory_space<vmem_shared>> -> memref<128x128xf32, #tpu.memory_space<vmem_shared>>
      %dma_start3A_497 = arith.constant 0 : i32
      %dma_start3A_498 = tpu.memref_slice %arg6[%multiple_of3A_17, %dma_start3A_497] : memref<10240x128xf32, #tpu.memory_space<vmem_shared>> -> memref<128x128xf32, #tpu.memory_space<vmem_shared>>
      tpu.enqueue_dma source(%arg8 : memref<128x128xf32, #tpu.memory_space<vmem>>) target(%dma_start3A_498 : memref<128x128xf32, #tpu.memory_space<vmem_shared>>) target_semaphore(%run_scoped3A : memref<!tpu.dma_semaphore, #tpu.memory_space<semaphore_mem>>)
      %dma_wait3A_499 = arith.constant 0 : i32
      %dma_wait3A_500 = tpu.memref_slice %arg6[%multiple_of3A_17, %dma_wait3A_499] : memref<10240x128xf32, #tpu.memory_space<vmem_shared>> -> memref<128x128xf32, #tpu.memory_space<vmem_shared>>
      %dma_wait3A_501 = arith.constant 0 : i32
      %dma_wait3A_502 = tpu.memref_slice %arg6[%multiple_of3A_17, %dma_wait3A_501] : memref<10240x128xf32, #tpu.memory_space<vmem_shared>> -> memref<128x128xf32, #tpu.memory_space<vmem_shared>>
      tpu.wait_dma2 semaphore(%run_scoped3A : memref<!tpu.dma_semaphore, #tpu.memory_space<semaphore_mem>>) src(%arg8 : memref<128x128xf32, #tpu.memory_space<vmem>>) dst(%dma_wait3A_502 : memref<128x128xf32, #tpu.memory_space<vmem_shared>>)
      tpu.yield
    }) : () -> ()
    %mul3A_18 = arith.constant 640 : i32
    %mul3A_19 = arith.muli %arg1, %mul3A_18 : i32
    %add3A_20 = arith.constant 256 : i32
    %add3A_21 = arith.addi %mul3A_19, %add3A_20 : i32
    %multiple_of3A_22 = tpu.assume_multiple %add3A_21, 8 : i32
    "tpu.region"() ({
      %run_scoped3A = tpu.sem_alloc : memref<!tpu.dma_semaphore, #tpu.memory_space<semaphore_mem>>
      %dma_start3A_495 = arith.constant 0 : i32
      %dma_start3A_496 = tpu.memref_slice %arg6[%multiple_of3A_22, %dma_start3A_495] : memref<10240x128xf32, #tpu.memory_space<vmem_shared>> -> memref<128x128xf32, #tpu.memory_space<vmem_shared>>
      %dma_start3A_497 = arith.constant 0 : i32
      %dma_start3A_498 = tpu.memref_slice %arg6[%multiple_of3A_22, %dma_start3A_497] : memref<10240x128xf32, #tpu.memory_space<vmem_shared>> -> memref<128x128xf32, #tpu.memory_space<vmem_shared>>
      tpu.enqueue_dma source(%arg8 : memref<128x128xf32, #tpu.memory_space<vmem>>) target(%dma_start3A_498 : memref<128x128xf32, #tpu.memory_space<vmem_shared>>) target_semaphore(%run_scoped3A : memref<!tpu.dma_semaphore, #tpu.memory_space<semaphore_mem>>)
      %dma_wait3A_499 = arith.constant 0 : i32
      %dma_wait3A_500 = tpu.memref_slice %arg6[%multiple_of3A_22, %dma_wait3A_499] : memref<10240x128xf32, #tpu.memory_space<vmem_shared>> -> memref<128x128xf32, #tpu.memory_space<vmem_shared>>
      %dma_wait3A_501 = arith.constant 0 : i32
      %dma_wait3A_502 = tpu.memref_slice %arg6[%multiple_of3A_22, %dma_wait3A_501] : memref<10240x128xf32, #tpu.memory_space<vmem_shared>> -> memref<128x128xf32, #tpu.memory_space<vmem_shared>>
      tpu.wait_dma2 semaphore(%run_scoped3A : memref<!tpu.dma_semaphore, #tpu.memory_space<semaphore_mem>>) src(%arg8 : memref<128x128xf32, #tpu.memory_space<vmem>>) dst(%dma_wait3A_502 : memref<128x128xf32, #tpu.memory_space<vmem_shared>>)
      tpu.yield
    }) : () -> ()
    %mul3A_23 = arith.constant 640 : i32
    %mul3A_24 = arith.muli %arg1, %mul3A_23 : i32
    %add3A_25 = arith.constant 384 : i32
    %add3A_26 = arith.addi %mul3A_24, %add3A_25 : i32
    %multiple_of3A_27 = tpu.assume_multiple %add3A_26, 8 : i32
    "tpu.region"() ({
      %run_scoped3A = tpu.sem_alloc : memref<!tpu.dma_semaphore, #tpu.memory_space<semaphore_mem>>
      %dma_start3A_495 = arith.constant 0 : i32
      %dma_start3A_496 = tpu.memref_slice %arg6[%multiple_of3A_27, %dma_start3A_495] : memref<10240x128xf32, #tpu.memory_space<vmem_shared>> -> memref<128x128xf32, #tpu.memory_space<vmem_shared>>
      %dma_start3A_497 = arith.constant 0 : i32
      %dma_start3A_498 = tpu.memref_slice %arg6[%multiple_of3A_27, %dma_start3A_497] : memref<10240x128xf32, #tpu.memory_space<vmem_shared>> -> memref<128x128xf32, #tpu.memory_space<vmem_shared>>
      tpu.enqueue_dma source(%arg8 : memref<128x128xf32, #tpu.memory_space<vmem>>) target(%dma_start3A_498 : memref<128x128xf32, #tpu.memory_space<vmem_shared>>) target_semaphore(%run_scoped3A : memref<!tpu.dma_semaphore, #tpu.memory_space<semaphore_mem>>)
      %dma_wait3A_499 = arith.constant 0 : i32
      %dma_wait3A_500 = tpu.memref_slice %arg6[%multiple_of3A_27, %dma_wait3A_499] : memref<10240x128xf32, #tpu.memory_space<vmem_shared>> -> memref<128x128xf32, #tpu.memory_space<vmem_shared>>
      %dma_wait3A_501 = arith.constant 0 : i32
      %dma_wait3A_502 = tpu.memref_slice %arg6[%multiple_of3A_27, %dma_wait3A_501] : memref<10240x128xf32, #tpu.memory_space<vmem_shared>> -> memref<128x128xf32, #tpu.memory_space<vmem_shared>>
      tpu.wait_dma2 semaphore(%run_scoped3A : memref<!tpu.dma_semaphore, #tpu.memory_space<semaphore_mem>>) src(%arg8 : memref<128x128xf32, #tpu.memory_space<vmem>>) dst(%dma_wait3A_502 : memref<128x128xf32, #tpu.memory_space<vmem_shared>>)
      tpu.yield
    }) : () -> ()
    %mul3A_28 = arith.constant 640 : i32
    %mul3A_29 = arith.muli %arg1, %mul3A_28 : i32
    %add3A_30 = arith.constant 512 : i32
    %add3A_31 = arith.addi %mul3A_29, %add3A_30 : i32
    %multiple_of3A_32 = tpu.assume_multiple %add3A_31, 8 : i32
    "tpu.region"() ({
      %run_scoped3A = tpu.sem_alloc : memref<!tpu.dma_semaphore, #tpu.memory_space<semaphore_mem>>
      %dma_start3A_495 = arith.constant 0 : i32
      %dma_start3A_496 = tpu.memref_slice %arg6[%multiple_of3A_32, %dma_start3A_495] : memref<10240x128xf32, #tpu.memory_space<vmem_shared>> -> memref<128x128xf32, #tpu.memory_space<vmem_shared>>
      %dma_start3A_497 = arith.constant 0 : i32
      %dma_start3A_498 = tpu.memref_slice %arg6[%multiple_of3A_32, %dma_start3A_497] : memref<10240x128xf32, #tpu.memory_space<vmem_shared>> -> memref<128x128xf32, #tpu.memory_space<vmem_shared>>
      tpu.enqueue_dma source(%arg8 : memref<128x128xf32, #tpu.memory_space<vmem>>) target(%dma_start3A_498 : memref<128x128xf32, #tpu.memory_space<vmem_shared>>) target_semaphore(%run_scoped3A : memref<!tpu.dma_semaphore, #tpu.memory_space<semaphore_mem>>)
      %dma_wait3A_499 = arith.constant 0 : i32
      %dma_wait3A_500 = tpu.memref_slice %arg6[%multiple_of3A_32, %dma_wait3A_499] : memref<10240x128xf32, #tpu.memory_space<vmem_shared>> -> memref<128x128xf32, #tpu.memory_space<vmem_shared>>
      %dma_wait3A_501 = arith.constant 0 : i32
      %dma_wait3A_502 = tpu.memref_slice %arg6[%multiple_of3A_32, %dma_wait3A_501] : memref<10240x128xf32, #tpu.memory_space<vmem_shared>> -> memref<128x128xf32, #tpu.memory_space<vmem_shared>>
      tpu.wait_dma2 semaphore(%run_scoped3A : memref<!tpu.dma_semaphore, #tpu.memory_space<semaphore_mem>>) src(%arg8 : memref<128x128xf32, #tpu.memory_space<vmem>>) dst(%dma_wait3A_502 : memref<128x128xf32, #tpu.memory_space<vmem_shared>>)
      tpu.yield
    }) : () -> ()
    %scan3A_33 = arith.constant 0 : i32
    %scan3A_34 = arith.constant 0 : i32
    %scan3A_35 = arith.constant 640 : i32
    %scan3A_36 = arith.addi %scan3A_34, %scan3A_35 : i32
    %scan3A_37 = arith.constant 1 : i32
    scf.for %scan3A_495 = %scan3A_34 to %scan3A_36 step %scan3A_37  : i32 {
      %mul3A_496 = arith.constant 16 : i32
      %mul3A_497 = arith.muli %scan3A_495, %mul3A_496 : i32
      %multiple_of3A_498 = tpu.assume_multiple %mul3A_497, 16 : i32
      %swap3A = arith.index_cast %multiple_of3A_498 : i32 to index
      %swap3A_499 = tpu.vector_load %arg13[%swap3A] {strides = array<i32>} : memref<10240xf32, #tpu.memory_space<vmem>>, vector<16xf32>,
      tpu.vector_store %arg13[%swap3A], %broadcast_in_dim3A_1 {strides = array<i32>} : memref<10240xf32, #tpu.memory_space<vmem>>, vector<16xf32>,
    }
    %scan3A_38 = arith.constant 640 : i32
    %barrier3A = arith.constant 0 : index
    tpu.barrier barrier_id(%barrier3A)
    %add3A_39 = arith.constant 0 : i32
    %add3A_40 = arith.addi %add3A, %add3A_39 : i32
    %mul3A_41 = arith.constant 128 : i32
    %mul3A_42 = arith.muli %add3A_40, %mul3A_41 : i32
    %multiple_of3A_43 = tpu.assume_multiple %mul3A_42, 128 : i32
    %dma_start3A = arith.constant 0 : i32
    %dma_start3A_44 = tpu.memref_slice %arg3[%dma_start3A, %multiple_of3A_43] : memref<2x320000xi32, #tpu.memory_space<hbm>> -> memref<2x128xi32, #tpu.memory_space<hbm>>
    %dma_start3A_45 = arith.constant 0 : i32
    %dma_start3A_46 = tpu.memref_slice %arg3[%dma_start3A_45, %multiple_of3A_43] : memref<2x320000xi32, #tpu.memory_space<hbm>> -> memref<2x128xi32, #tpu.memory_space<hbm>>
    tpu.enqueue_dma source(%dma_start3A_46 : memref<2x128xi32, #tpu.memory_space<hbm>>) target(%arg7 : memref<2x128xi32, #tpu.memory_space<vmem>>) target_semaphore(%arg14 : memref<!tpu.dma_semaphore, #tpu.memory_space<semaphore_mem>>)
    %dma_wait3A = arith.constant 0 : i32
    %dma_wait3A_47 = arith.constant 0 : i32
    %dma_wait3A_48 = tpu.memref_slice %arg3[%dma_wait3A, %dma_wait3A_47] : memref<2x320000xi32, #tpu.memory_space<hbm>> -> memref<2x128xi32, #tpu.memory_space<hbm>>
    %dma_wait3A_49 = arith.constant 0 : i32
    %dma_wait3A_50 = arith.constant 0 : i32
    %dma_wait3A_51 = tpu.memref_slice %arg3[%dma_wait3A_49, %dma_wait3A_50] : memref<2x320000xi32, #tpu.memory_space<hbm>> -> memref<2x128xi32, #tpu.memory_space<hbm>>
    tpu.wait_dma2 semaphore(%arg14 : memref<!tpu.dma_semaphore, #tpu.memory_space<semaphore_mem>>) src(%dma_wait3A_51 : memref<2x128xi32, #tpu.memory_space<hbm>>) dst(%arg7 : memref<2x128xi32, #tpu.memory_space<vmem>>)
    %dma_start3A_52 = arith.constant 0 : i32
    %dma_start3A_53 = arith.constant 0 : i32
    %dma_start3A_54 = tpu.memref_slice %arg7[%dma_start3A_52, %dma_start3A_53] : memref<2x128xi32, #tpu.memory_space<vmem>> -> memref<1x128xi32, #tpu.memory_space<vmem>>
    %dma_start3A_55 = tpu.memref_squeeze %dma_start3A_54 : memref<1x128xi32, #tpu.memory_space<vmem>> -> memref<128xi32, #tpu.memory_space<vmem>>
    %dma_start3A_56 = arith.constant 0 : i32
    %dma_start3A_57 = arith.constant 0 : i32
    %dma_start3A_58 = tpu.memref_slice %arg2[%dma_start3A_56, %dma_start3A_57] : memref<10000x128xf32, #tpu.memory_space<hbm>> -> memref<10000x128xf32, #tpu.memory_space<hbm>>
    tpu.enqueue_indirect_dma source(%dma_start3A_58 : memref<10000x128xf32, #tpu.memory_space<hbm>>) target(%arg8 : memref<128x128xf32, #tpu.memory_space<vmem>>) offsets(%dma_start3A_55 : memref<128xi32, #tpu.memory_space<vmem>>) semaphore(%arg15 : memref<!tpu.dma_semaphore, #tpu.memory_space<semaphore_mem>>)
    %add3A_59 = arith.constant 32 : i32
    %add3A_60 = arith.addi %add3A, %add3A_59 : i32
    %mul3A_61 = arith.constant 128 : i32
    %mul3A_62 = arith.muli %add3A_60, %mul3A_61 : i32
    %multiple_of3A_63 = tpu.assume_multiple %mul3A_62, 128 : i32
    %dma_start3A_64 = arith.constant 0 : i32
    %dma_start3A_65 = tpu.memref_slice %arg3[%dma_start3A_64, %multiple_of3A_63] : memref<2x320000xi32, #tpu.memory_space<hbm>> -> memref<2x128xi32, #tpu.memory_space<hbm>>
    %dma_start3A_66 = arith.constant 0 : i32
    %dma_start3A_67 = tpu.memref_slice %arg3[%dma_start3A_66, %multiple_of3A_63] : memref<2x320000xi32, #tpu.memory_space<hbm>> -> memref<2x128xi32, #tpu.memory_space<hbm>>
    tpu.enqueue_dma source(%dma_start3A_67 : memref<2x128xi32, #tpu.memory_space<hbm>>) target(%arg9 : memref<2x128xi32, #tpu.memory_space<vmem>>) target_semaphore(%arg14 : memref<!tpu.dma_semaphore, #tpu.memory_space<semaphore_mem>>)
    %dma_wait3A_68 = arith.constant 0 : i32
    %dma_wait3A_69 = arith.constant 0 : i32
    %dma_wait3A_70 = tpu.memref_slice %arg2[%dma_wait3A_68, %dma_wait3A_69] : memref<10000x128xf32, #tpu.memory_space<hbm>> -> memref<128x128xf32, #tpu.memory_space<hbm>>
    %dma_wait3A_71 = arith.constant 0 : i32
    %dma_wait3A_72 = arith.constant 0 : i32
    %dma_wait3A_73 = tpu.memref_slice %arg2[%dma_wait3A_71, %dma_wait3A_72] : memref<10000x128xf32, #tpu.memory_space<hbm>> -> memref<128x128xf32, #tpu.memory_space<hbm>>
    tpu.wait_dma2 semaphore(%arg15 : memref<!tpu.dma_semaphore, #tpu.memory_space<semaphore_mem>>) src(%dma_wait3A_73 : memref<128x128xf32, #tpu.memory_space<hbm>>) dst(%arg8 : memref<128x128xf32, #tpu.memory_space<vmem>>)
    %dma_wait3A_74 = arith.constant 0 : i32
    %dma_wait3A_75 = arith.constant 0 : i32
    %dma_wait3A_76 = tpu.memref_slice %arg3[%dma_wait3A_74, %dma_wait3A_75] : memref<2x320000xi32, #tpu.memory_space<hbm>> -> memref<2x128xi32, #tpu.memory_space<hbm>>
    %dma_wait3A_77 = arith.constant 0 : i32
    %dma_wait3A_78 = arith.constant 0 : i32
    %dma_wait3A_79 = tpu.memref_slice %arg3[%dma_wait3A_77, %dma_wait3A_78] : memref<2x320000xi32, #tpu.memory_space<hbm>> -> memref<2x128xi32, #tpu.memory_space<hbm>>
    tpu.wait_dma2 semaphore(%arg14 : memref<!tpu.dma_semaphore, #tpu.memory_space<semaphore_mem>>) src(%dma_wait3A_79 : memref<2x128xi32, #tpu.memory_space<hbm>>) dst(%arg9 : memref<2x128xi32, #tpu.memory_space<vmem>>)
    %dma_start3A_80 = arith.constant 0 : i32
    %dma_start3A_81 = arith.constant 0 : i32
    %dma_start3A_82 = tpu.memref_slice %arg9[%dma_start3A_80, %dma_start3A_81] : memref<2x128xi32, #tpu.memory_space<vmem>> -> memref<1x128xi32, #tpu.memory_space<vmem>>
    %dma_start3A_83 = tpu.memref_squeeze %dma_start3A_82 : memref<1x128xi32, #tpu.memory_space<vmem>> -> memref<128xi32, #tpu.memory_space<vmem>>
    %dma_start3A_84 = arith.constant 0 : i32
    %dma_start3A_85 = arith.constant 0 : i32
    %dma_start3A_86 = tpu.memref_slice %arg2[%dma_start3A_84, %dma_start3A_85] : memref<10000x128xf32, #tpu.memory_space<hbm>> -> memref<10000x128xf32, #tpu.memory_space<hbm>>
    tpu.enqueue_indirect_dma source(%dma_start3A_86 : memref<10000x128xf32, #tpu.memory_space<hbm>>) target(%arg10 : memref<128x128xf32, #tpu.memory_space<vmem>>) offsets(%dma_start3A_83 : memref<128xi32, #tpu.memory_space<vmem>>) semaphore(%arg15 : memref<!tpu.dma_semaphore, #tpu.memory_space<semaphore_mem>>)
    %dma_start3A_87 = arith.constant 1 : i32
    %dma_start3A_88 = arith.constant 0 : i32
    %dma_start3A_89 = tpu.memref_slice %arg7[%dma_start3A_87, %dma_start3A_88] : memref<2x128xi32, #tpu.memory_space<vmem>> -> memref<1x128xi32, #tpu.memory_space<vmem>>
    %dma_start3A_90 = tpu.memref_squeeze %dma_start3A_89 : memref<1x128xi32, #tpu.memory_space<vmem>> -> memref<128xi32, #tpu.memory_space<vmem>>
    %dma_start3A_91 = arith.constant 0 : i32
    %dma_start3A_92 = arith.constant 0 : i32
    %dma_start3A_93 = tpu.memref_slice %arg6[%dma_start3A_91, %dma_start3A_92] : memref<10240x128xf32, #tpu.memory_space<vmem_shared>> -> memref<10240x128xf32, #tpu.memory_space<vmem_shared>>
    tpu.enqueue_indirect_dma source(%arg8 : memref<128x128xf32, #tpu.memory_space<vmem>>) target(%dma_start3A_93 : memref<10240x128xf32, #tpu.memory_space<vmem_shared>>) offsets(%dma_start3A_90 : memref<128xi32, #tpu.memory_space<vmem>>) semaphore(%arg16 : memref<!tpu.dma_semaphore, #tpu.memory_space<semaphore_mem>>) {add = true}
    %add3A_94 = arith.constant 64 : i32
    %add3A_95 = arith.addi %add3A, %add3A_94 : i32
    %mul3A_96 = arith.constant 128 : i32
    %mul3A_97 = arith.muli %add3A_95, %mul3A_96 : i32
    %multiple_of3A_98 = tpu.assume_multiple %mul3A_97, 128 : i32
    %dma_start3A_99 = arith.constant 0 : i32
    %dma_start3A_100 = tpu.memref_slice %arg3[%dma_start3A_99, %multiple_of3A_98] : memref<2x320000xi32, #tpu.memory_space<hbm>> -> memref<2x128xi32, #tpu.memory_space<hbm>>
    %dma_start3A_101 = arith.constant 0 : i32
    %dma_start3A_102 = tpu.memref_slice %arg3[%dma_start3A_101, %multiple_of3A_98] : memref<2x320000xi32, #tpu.memory_space<hbm>> -> memref<2x128xi32, #tpu.memory_space<hbm>>
    tpu.enqueue_dma source(%dma_start3A_102 : memref<2x128xi32, #tpu.memory_space<hbm>>) target(%arg11 : memref<2x128xi32, #tpu.memory_space<vmem>>) target_semaphore(%arg14 : memref<!tpu.dma_semaphore, #tpu.memory_space<semaphore_mem>>)
    %get3A = arith.constant 1 : i32
    %get3A_103 = arith.index_cast %get3A : i32 to index
    %get3A_104 = arith.constant 0 : index
    %get3A_105 = tpu.vector_load %arg7[%get3A_103, %get3A_104] {strides = array<i32>} : memref<2x128xi32, #tpu.memory_space<vmem>>, vector<16xi32>,
    tpu.vector_store_idx %arg13[%get3A_105], %broadcast_in_dim3A_3 {add = true} : memref<10240xf32, #tpu.memory_space<vmem>>[vector<16xi32>], vector<16xf32>,
    %get3A_106 = arith.constant 1 : i32
    %get3A_107 = arith.index_cast %get3A_106 : i32 to index
    %get3A_108 = arith.constant 16 : index
    %get3A_109 = tpu.vector_load %arg7[%get3A_107, %get3A_108] {strides = array<i32>} : memref<2x128xi32, #tpu.memory_space<vmem>>, vector<16xi32>,
    tpu.vector_store_idx %arg13[%get3A_109], %broadcast_in_dim3A_3 {add = true} : memref<10240xf32, #tpu.memory_space<vmem>>[vector<16xi32>], vector<16xf32>,
    %get3A_110 = arith.constant 1 : i32
    %get3A_111 = arith.index_cast %get3A_110 : i32 to index
    %get3A_112 = arith.constant 32 : index
    %get3A_113 = tpu.vector_load %arg7[%get3A_111, %get3A_112] {strides = array<i32>} : memref<2x128xi32, #tpu.memory_space<vmem>>, vector<16xi32>,
    tpu.vector_store_idx %arg13[%get3A_113], %broadcast_in_dim3A_3 {add = true} : memref<10240xf32, #tpu.memory_space<vmem>>[vector<16xi32>], vector<16xf32>,
    %get3A_114 = arith.constant 1 : i32
    %get3A_115 = arith.index_cast %get3A_114 : i32 to index
    %get3A_116 = arith.constant 48 : index
    %get3A_117 = tpu.vector_load %arg7[%get3A_115, %get3A_116] {strides = array<i32>} : memref<2x128xi32, #tpu.memory_space<vmem>>, vector<16xi32>,
    tpu.vector_store_idx %arg13[%get3A_117], %broadcast_in_dim3A_3 {add = true} : memref<10240xf32, #tpu.memory_space<vmem>>[vector<16xi32>], vector<16xf32>,
    %get3A_118 = arith.constant 1 : i32
    %get3A_119 = arith.index_cast %get3A_118 : i32 to index
    %get3A_120 = arith.constant 64 : index
    %get3A_121 = tpu.vector_load %arg7[%get3A_119, %get3A_120] {strides = array<i32>} : memref<2x128xi32, #tpu.memory_space<vmem>>, vector<16xi32>,
    tpu.vector_store_idx %arg13[%get3A_121], %broadcast_in_dim3A_3 {add = true} : memref<10240xf32, #tpu.memory_space<vmem>>[vector<16xi32>], vector<16xf32>,
    %get3A_122 = arith.constant 1 : i32
    %get3A_123 = arith.index_cast %get3A_122 : i32 to index
    %get3A_124 = arith.constant 80 : index
    %get3A_125 = tpu.vector_load %arg7[%get3A_123, %get3A_124] {strides = array<i32>} : memref<2x128xi32, #tpu.memory_space<vmem>>, vector<16xi32>,
    tpu.vector_store_idx %arg13[%get3A_125], %broadcast_in_dim3A_3 {add = true} : memref<10240xf32, #tpu.memory_space<vmem>>[vector<16xi32>], vector<16xf32>,
    %get3A_126 = arith.constant 1 : i32
    %get3A_127 = arith.index_cast %get3A_126 : i32 to index
    %get3A_128 = arith.constant 96 : index
    %get3A_129 = tpu.vector_load %arg7[%get3A_127, %get3A_128] {strides = array<i32>} : memref<2x128xi32, #tpu.memory_space<vmem>>, vector<16xi32>,
    tpu.vector_store_idx %arg13[%get3A_129], %broadcast_in_dim3A_3 {add = true} : memref<10240xf32, #tpu.memory_space<vmem>>[vector<16xi32>], vector<16xf32>,
    %get3A_130 = arith.constant 1 : i32
    %get3A_131 = arith.index_cast %get3A_130 : i32 to index
    %get3A_132 = arith.constant 112 : index
    %get3A_133 = tpu.vector_load %arg7[%get3A_131, %get3A_132] {strides = array<i32>} : memref<2x128xi32, #tpu.memory_space<vmem>>, vector<16xi32>,
    tpu.vector_store_idx %arg13[%get3A_133], %broadcast_in_dim3A_3 {add = true} : memref<10240xf32, #tpu.memory_space<vmem>>[vector<16xi32>], vector<16xf32>,
    %scan3A_134 = arith.constant 0 : i32
    %scan3A_135 = arith.constant 0 : i32
    %scan3A_136 = arith.constant 12 : i32
    %scan3A_137 = arith.addi %scan3A_135, %scan3A_136 : i32
    %scan3A_138 = arith.constant 1 : i32
    scf.for %scan3A_495 = %scan3A_135 to %scan3A_137 step %scan3A_138  : i32 {
      %mul3A_496 = arith.constant 6 : i32
      %mul3A_497 = arith.muli %mul3A_496, %scan3A_495 : i32
      %add3A_498 = arith.constant 1 : i32
      %add3A_499 = arith.addi %mul3A_497, %add3A_498 : i32
      %add3A_500 = arith.constant 0 : i32
      %add3A_501 = arith.addi %add3A_499, %add3A_500 : i32
      %dma_wait3A_502 = arith.constant 0 : i32
      %dma_wait3A_503 = arith.constant 0 : i32
      %dma_wait3A_504 = tpu.memref_slice %arg2[%dma_wait3A_502, %dma_wait3A_503] : memref<10000x128xf32, #tpu.memory_space<hbm>> -> memref<128x128xf32, #tpu.memory_space<hbm>>
      %dma_wait3A_505 = arith.constant 0 : i32
      %dma_wait3A_506 = arith.constant 0 : i32
      %dma_wait3A_507 = tpu.memref_slice %arg2[%dma_wait3A_505, %dma_wait3A_506] : memref<10000x128xf32, #tpu.memory_space<hbm>> -> memref<128x128xf32, #tpu.memory_space<hbm>>
      tpu.wait_dma2 semaphore(%arg15 : memref<!tpu.dma_semaphore, #tpu.memory_space<semaphore_mem>>) src(%dma_wait3A_507 : memref<128x128xf32, #tpu.memory_space<hbm>>) dst(%arg10 : memref<128x128xf32, #tpu.memory_space<vmem>>)
      %dma_wait3A_508 = arith.constant 0 : i32
      %dma_wait3A_509 = arith.constant 0 : i32
      %dma_wait3A_510 = tpu.memref_slice %arg3[%dma_wait3A_508, %dma_wait3A_509] : memref<2x320000xi32, #tpu.memory_space<hbm>> -> memref<2x128xi32, #tpu.memory_space<hbm>>
      %dma_wait3A_511 = arith.constant 0 : i32
      %dma_wait3A_512 = arith.constant 0 : i32
      %dma_wait3A_513 = tpu.memref_slice %arg3[%dma_wait3A_511, %dma_wait3A_512] : memref<2x320000xi32, #tpu.memory_space<hbm>> -> memref<2x128xi32, #tpu.memory_space<hbm>>
      tpu.wait_dma2 semaphore(%arg14 : memref<!tpu.dma_semaphore, #tpu.memory_space<semaphore_mem>>) src(%dma_wait3A_513 : memref<2x128xi32, #tpu.memory_space<hbm>>) dst(%arg11 : memref<2x128xi32, #tpu.memory_space<vmem>>)
      %dma_wait3A_514 = arith.constant 1 : i32
      %dma_wait3A_515 = arith.constant 0 : i32
      %dma_wait3A_516 = tpu.memref_slice %arg7[%dma_wait3A_514, %dma_wait3A_515] : memref<2x128xi32, #tpu.memory_space<vmem>> -> memref<1x128xi32, #tpu.memory_space<vmem>>
      %dma_wait3A_517 = tpu.memref_squeeze %dma_wait3A_516 : memref<1x128xi32, #tpu.memory_space<vmem>> -> memref<128xi32, #tpu.memory_space<vmem>>
      %dma_wait3A_518 = arith.constant 0 : i32
      %dma_wait3A_519 = arith.constant 0 : i32
      %dma_wait3A_520 = tpu.memref_slice %arg6[%dma_wait3A_518, %dma_wait3A_519] : memref<10240x128xf32, #tpu.memory_space<vmem_shared>> -> memref<10240x128xf32, #tpu.memory_space<vmem_shared>>
      tpu.wait_indirect_dma semaphore(%arg16 : memref<!tpu.dma_semaphore, #tpu.memory_space<semaphore_mem>>) src(%arg8 : memref<128x128xf32, #tpu.memory_space<vmem>>) dst(%dma_wait3A_520 : memref<10240x128xf32, #tpu.memory_space<vmem_shared>>)
      %dma_start3A_521 = arith.constant 0 : i32
      %dma_start3A_522 = arith.constant 0 : i32
      %dma_start3A_523 = tpu.memref_slice %arg11[%dma_start3A_521, %dma_start3A_522] : memref<2x128xi32, #tpu.memory_space<vmem>> -> memref<1x128xi32, #tpu.memory_space<vmem>>
      %dma_start3A_524 = tpu.memref_squeeze %dma_start3A_523 : memref<1x128xi32, #tpu.memory_space<vmem>> -> memref<128xi32, #tpu.memory_space<vmem>>
      %dma_start3A_525 = arith.constant 0 : i32
      %dma_start3A_526 = arith.constant 0 : i32
      %dma_start3A_527 = tpu.memref_slice %arg2[%dma_start3A_525, %dma_start3A_526] : memref<10000x128xf32, #tpu.memory_space<hbm>> -> memref<10000x128xf32, #tpu.memory_space<hbm>>
      tpu.enqueue_indirect_dma source(%dma_start3A_527 : memref<10000x128xf32, #tpu.memory_space<hbm>>) target(%arg8 : memref<128x128xf32, #tpu.memory_space<vmem>>) offsets(%dma_start3A_524 : memref<128xi32, #tpu.memory_space<vmem>>) semaphore(%arg15 : memref<!tpu.dma_semaphore, #tpu.memory_space<semaphore_mem>>)
      %dma_start3A_528 = arith.constant 1 : i32
      %dma_start3A_529 = arith.constant 0 : i32
      %dma_start3A_530 = tpu.memref_slice %arg9[%dma_start3A_528, %dma_start3A_529] : memref<2x128xi32, #tpu.memory_space<vmem>> -> memref<1x128xi32, #tpu.memory_space<vmem>>
      %dma_start3A_531 = tpu.memref_squeeze %dma_start3A_530 : memref<1x128xi32, #tpu.memory_space<vmem>> -> memref<128xi32, #tpu.memory_space<vmem>>
      %dma_start3A_532 = arith.constant 0 : i32
      %dma_start3A_533 = arith.constant 0 : i32
      %dma_start3A_534 = tpu.memref_slice %arg6[%dma_start3A_532, %dma_start3A_533] : memref<10240x128xf32, #tpu.memory_space<vmem_shared>> -> memref<10240x128xf32, #tpu.memory_space<vmem_shared>>
      tpu.enqueue_indirect_dma source(%arg10 : memref<128x128xf32, #tpu.memory_space<vmem>>) target(%dma_start3A_534 : memref<10240x128xf32, #tpu.memory_space<vmem_shared>>) offsets(%dma_start3A_531 : memref<128xi32, #tpu.memory_space<vmem>>) semaphore(%arg16 : memref<!tpu.dma_semaphore, #tpu.memory_space<semaphore_mem>>) {add = true}
      %add3A_535 = arith.constant 2 : i32
      %add3A_536 = arith.addi %add3A_501, %add3A_535 : i32
      %mul3A_537 = arith.constant 32 : i32
      %mul3A_538 = arith.muli %mul3A_537, %add3A_536 : i32
      %add3A_539 = arith.addi %add3A, %mul3A_538 : i32
      %mul3A_540 = arith.constant 128 : i32
      %mul3A_541 = arith.muli %add3A_539, %mul3A_540 : i32
      %multiple_of3A_542 = tpu.assume_multiple %mul3A_541, 128 : i32
      %dma_start3A_543 = arith.constant 0 : i32
      %dma_start3A_544 = tpu.memref_slice %arg3[%dma_start3A_543, %multiple_of3A_542] : memref<2x320000xi32, #tpu.memory_space<hbm>> -> memref<2x128xi32, #tpu.memory_space<hbm>>
      %dma_start3A_545 = arith.constant 0 : i32
      %dma_start3A_546 = tpu.memref_slice %arg3[%dma_start3A_545, %multiple_of3A_542] : memref<2x320000xi32, #tpu.memory_space<hbm>> -> memref<2x128xi32, #tpu.memory_space<hbm>>
      tpu.enqueue_dma source(%dma_start3A_546 : memref<2x128xi32, #tpu.memory_space<hbm>>) target(%arg7 : memref<2x128xi32, #tpu.memory_space<vmem>>) target_semaphore(%arg14 : memref<!tpu.dma_semaphore, #tpu.memory_space<semaphore_mem>>)
      %get3A_547 = arith.constant 1 : i32
      %get3A_548 = arith.index_cast %get3A_547 : i32 to index
      %get3A_549 = arith.constant 0 : index
      %get3A_550 = tpu.vector_load %arg9[%get3A_548, %get3A_549] {strides = array<i32>} : memref<2x128xi32, #tpu.memory_space<vmem>>, vector<16xi32>,
      tpu.vector_store_idx %arg13[%get3A_550], %broadcast_in_dim3A_3 {add = true} : memref<10240xf32, #tpu.memory_space<vmem>>[vector<16xi32>], vector<16xf32>,
      %get3A_551 = arith.constant 1 : i32
      %get3A_552 = arith.index_cast %get3A_551 : i32 to index
      %get3A_553 = arith.constant 16 : index
      %get3A_554 = tpu.vector_load %arg9[%get3A_552, %get3A_553] {strides = array<i32>} : memref<2x128xi32, #tpu.memory_space<vmem>>, vector<16xi32>,
      tpu.vector_store_idx %arg13[%get3A_554], %broadcast_in_dim3A_3 {add = true} : memref<10240xf32, #tpu.memory_space<vmem>>[vector<16xi32>], vector<16xf32>,
      %get3A_555 = arith.constant 1 : i32
      %get3A_556 = arith.index_cast %get3A_555 : i32 to index
      %get3A_557 = arith.constant 32 : index
      %get3A_558 = tpu.vector_load %arg9[%get3A_556, %get3A_557] {strides = array<i32>} : memref<2x128xi32, #tpu.memory_space<vmem>>, vector<16xi32>,
      tpu.vector_store_idx %arg13[%get3A_558], %broadcast_in_dim3A_3 {add = true} : memref<10240xf32, #tpu.memory_space<vmem>>[vector<16xi32>], vector<16xf32>,
      %get3A_559 = arith.constant 1 : i32
      %get3A_560 = arith.index_cast %get3A_559 : i32 to index
      %get3A_561 = arith.constant 48 : index
      %get3A_562 = tpu.vector_load %arg9[%get3A_560, %get3A_561] {strides = array<i32>} : memref<2x128xi32, #tpu.memory_space<vmem>>, vector<16xi32>,
      tpu.vector_store_idx %arg13[%get3A_562], %broadcast_in_dim3A_3 {add = true} : memref<10240xf32, #tpu.memory_space<vmem>>[vector<16xi32>], vector<16xf32>,
      %get3A_563 = arith.constant 1 : i32
      %get3A_564 = arith.index_cast %get3A_563 : i32 to index
      %get3A_565 = arith.constant 64 : index
      %get3A_566 = tpu.vector_load %arg9[%get3A_564, %get3A_565] {strides = array<i32>} : memref<2x128xi32, #tpu.memory_space<vmem>>, vector<16xi32>,
      tpu.vector_store_idx %arg13[%get3A_566], %broadcast_in_dim3A_3 {add = true} : memref<10240xf32, #tpu.memory_space<vmem>>[vector<16xi32>], vector<16xf32>,
      %get3A_567 = arith.constant 1 : i32
      %get3A_568 = arith.index_cast %get3A_567 : i32 to index
      %get3A_569 = arith.constant 80 : index
      %get3A_570 = tpu.vector_load %arg9[%get3A_568, %get3A_569] {strides = array<i32>} : memref<2x128xi32, #tpu.memory_space<vmem>>, vector<16xi32>,
      tpu.vector_store_idx %arg13[%get3A_570], %broadcast_in_dim3A_3 {add = true} : memref<10240xf32, #tpu.memory_space<vmem>>[vector<16xi32>], vector<16xf32>,
      %get3A_571 = arith.constant 1 : i32
      %get3A_572 = arith.index_cast %get3A_571 : i32 to index
      %get3A_573 = arith.constant 96 : index
      %get3A_574 = tpu.vector_load %arg9[%get3A_572, %get3A_573] {strides = array<i32>} : memref<2x128xi32, #tpu.memory_space<vmem>>, vector<16xi32>,
      tpu.vector_store_idx %arg13[%get3A_574], %broadcast_in_dim3A_3 {add = true} : memref<10240xf32, #tpu.memory_space<vmem>>[vector<16xi32>], vector<16xf32>,
      %get3A_575 = arith.constant 1 : i32
      %get3A_576 = arith.index_cast %get3A_575 : i32 to index
      %get3A_577 = arith.constant 112 : index
      %get3A_578 = tpu.vector_load %arg9[%get3A_576, %get3A_577] {strides = array<i32>} : memref<2x128xi32, #tpu.memory_space<vmem>>, vector<16xi32>,
      tpu.vector_store_idx %arg13[%get3A_578], %broadcast_in_dim3A_3 {add = true} : memref<10240xf32, #tpu.memory_space<vmem>>[vector<16xi32>], vector<16xf32>,
      %add3A_579 = arith.constant 1 : i32
      %add3A_580 = arith.addi %add3A_499, %add3A_579 : i32
      %dma_wait3A_581 = arith.constant 0 : i32
      %dma_wait3A_582 = arith.constant 0 : i32
      %dma_wait3A_583 = tpu.memref_slice %arg2[%dma_wait3A_581, %dma_wait3A_582] : memref<10000x128xf32, #tpu.memory_space<hbm>> -> memref<128x128xf32, #tpu.memory_space<hbm>>
      %dma_wait3A_584 = arith.constant 0 : i32
      %dma_wait3A_585 = arith.constant 0 : i32
      %dma_wait3A_586 = tpu.memref_slice %arg2[%dma_wait3A_584, %dma_wait3A_585] : memref<10000x128xf32, #tpu.memory_space<hbm>> -> memref<128x128xf32, #tpu.memory_space<hbm>>
      tpu.wait_dma2 semaphore(%arg15 : memref<!tpu.dma_semaphore, #tpu.memory_space<semaphore_mem>>) src(%dma_wait3A_586 : memref<128x128xf32, #tpu.memory_space<hbm>>) dst(%arg8 : memref<128x128xf32, #tpu.memory_space<vmem>>)
      %dma_wait3A_587 = arith.constant 0 : i32
      %dma_wait3A_588 = arith.constant 0 : i32
      %dma_wait3A_589 = tpu.memref_slice %arg3[%dma_wait3A_587, %dma_wait3A_588] : memref<2x320000xi32, #tpu.memory_space<hbm>> -> memref<2x128xi32, #tpu.memory_space<hbm>>
      %dma_wait3A_590 = arith.constant 0 : i32
      %dma_wait3A_591 = arith.constant 0 : i32
      %dma_wait3A_592 = tpu.memref_slice %arg3[%dma_wait3A_590, %dma_wait3A_591] : memref<2x320000xi32, #tpu.memory_space<hbm>> -> memref<2x128xi32, #tpu.memory_space<hbm>>
      tpu.wait_dma2 semaphore(%arg14 : memref<!tpu.dma_semaphore, #tpu.memory_space<semaphore_mem>>) src(%dma_wait3A_592 : memref<2x128xi32, #tpu.memory_space<hbm>>) dst(%arg7 : memref<2x128xi32, #tpu.memory_space<vmem>>)
      %dma_wait3A_593 = arith.constant 1 : i32
      %dma_wait3A_594 = arith.constant 0 : i32
      %dma_wait3A_595 = tpu.memref_slice %arg9[%dma_wait3A_593, %dma_wait3A_594] : memref<2x128xi32, #tpu.memory_space<vmem>> -> memref<1x128xi32, #tpu.memory_space<vmem>>
      %dma_wait3A_596 = tpu.memref_squeeze %dma_wait3A_595 : memref<1x128xi32, #tpu.memory_space<vmem>> -> memref<128xi32, #tpu.memory_space<vmem>>
      %dma_wait3A_597 = arith.constant 0 : i32
      %dma_wait3A_598 = arith.constant 0 : i32
      %dma_wait3A_599 = tpu.memref_slice %arg6[%dma_wait3A_597, %dma_wait3A_598] : memref<10240x128xf32, #tpu.memory_space<vmem_shared>> -> memref<10240x128xf32, #tpu.memory_space<vmem_shared>>
      tpu.wait_indirect_dma semaphore(%arg16 : memref<!tpu.dma_semaphore, #tpu.memory_space<semaphore_mem>>) src(%arg10 : memref<128x128xf32, #tpu.memory_space<vmem>>) dst(%dma_wait3A_599 : memref<10240x128xf32, #tpu.memory_space<vmem_shared>>)
      %dma_start3A_600 = arith.constant 0 : i32
      %dma_start3A_601 = arith.constant 0 : i32
      %dma_start3A_602 = tpu.memref_slice %arg7[%dma_start3A_600, %dma_start3A_601] : memref<2x128xi32, #tpu.memory_space<vmem>> -> memref<1x128xi32, #tpu.memory_space<vmem>>
      %dma_start3A_603 = tpu.memref_squeeze %dma_start3A_602 : memref<1x128xi32, #tpu.memory_space<vmem>> -> memref<128xi32, #tpu.memory_space<vmem>>
      %dma_start3A_604 = arith.constant 0 : i32
      %dma_start3A_605 = arith.constant 0 : i32
      %dma_start3A_606 = tpu.memref_slice %arg2[%dma_start3A_604, %dma_start3A_605] : memref<10000x128xf32, #tpu.memory_space<hbm>> -> memref<10000x128xf32, #tpu.memory_space<hbm>>
      tpu.enqueue_indirect_dma source(%dma_start3A_606 : memref<10000x128xf32, #tpu.memory_space<hbm>>) target(%arg10 : memref<128x128xf32, #tpu.memory_space<vmem>>) offsets(%dma_start3A_603 : memref<128xi32, #tpu.memory_space<vmem>>) semaphore(%arg15 : memref<!tpu.dma_semaphore, #tpu.memory_space<semaphore_mem>>)
      %dma_start3A_607 = arith.constant 1 : i32
      %dma_start3A_608 = arith.constant 0 : i32
      %dma_start3A_609 = tpu.memref_slice %arg11[%dma_start3A_607, %dma_start3A_608] : memref<2x128xi32, #tpu.memory_space<vmem>> -> memref<1x128xi32, #tpu.memory_space<vmem>>
      %dma_start3A_610 = tpu.memref_squeeze %dma_start3A_609 : memref<1x128xi32, #tpu.memory_space<vmem>> -> memref<128xi32, #tpu.memory_space<vmem>>
      %dma_start3A_611 = arith.constant 0 : i32
      %dma_start3A_612 = arith.constant 0 : i32
      %dma_start3A_613 = tpu.memref_slice %arg6[%dma_start3A_611, %dma_start3A_612] : memref<10240x128xf32, #tpu.memory_space<vmem_shared>> -> memref<10240x128xf32, #tpu.memory_space<vmem_shared>>
      tpu.enqueue_indirect_dma source(%arg8 : memref<128x128xf32, #tpu.memory_space<vmem>>) target(%dma_start3A_613 : memref<10240x128xf32, #tpu.memory_space<vmem_shared>>) offsets(%dma_start3A_610 : memref<128xi32, #tpu.memory_space<vmem>>) semaphore(%arg16 : memref<!tpu.dma_semaphore, #tpu.memory_space<semaphore_mem>>) {add = true}
      %add3A_614 = arith.constant 2 : i32
      %add3A_615 = arith.addi %add3A_580, %add3A_614 : i32
      %mul3A_616 = arith.constant 32 : i32
      %mul3A_617 = arith.muli %mul3A_616, %add3A_615 : i32
      %add3A_618 = arith.addi %add3A, %mul3A_617 : i32
      %mul3A_619 = arith.constant 128 : i32
      %mul3A_620 = arith.muli %add3A_618, %mul3A_619 : i32
      %multiple_of3A_621 = tpu.assume_multiple %mul3A_620, 128 : i32
      %dma_start3A_622 = arith.constant 0 : i32
      %dma_start3A_623 = tpu.memref_slice %arg3[%dma_start3A_622, %multiple_of3A_621] : memref<2x320000xi32, #tpu.memory_space<hbm>> -> memref<2x128xi32, #tpu.memory_space<hbm>>
      %dma_start3A_624 = arith.constant 0 : i32
      %dma_start3A_625 = tpu.memref_slice %arg3[%dma_start3A_624, %multiple_of3A_621] : memref<2x320000xi32, #tpu.memory_space<hbm>> -> memref<2x128xi32, #tpu.memory_space<hbm>>
      tpu.enqueue_dma source(%dma_start3A_625 : memref<2x128xi32, #tpu.memory_space<hbm>>) target(%arg9 : memref<2x128xi32, #tpu.memory_space<vmem>>) target_semaphore(%arg14 : memref<!tpu.dma_semaphore, #tpu.memory_space<semaphore_mem>>)
      %get3A_626 = arith.constant 1 : i32
      %get3A_627 = arith.index_cast %get3A_626 : i32 to index
      %get3A_628 = arith.constant 0 : index
      %get3A_629 = tpu.vector_load %arg11[%get3A_627, %get3A_628] {strides = array<i32>} : memref<2x128xi32, #tpu.memory_space<vmem>>, vector<16xi32>,
      tpu.vector_store_idx %arg13[%get3A_629], %broadcast_in_dim3A_3 {add = true} : memref<10240xf32, #tpu.memory_space<vmem>>[vector<16xi32>], vector<16xf32>,
      %get3A_630 = arith.constant 1 : i32
      %get3A_631 = arith.index_cast %get3A_630 : i32 to index
      %get3A_632 = arith.constant 16 : index
      %get3A_633 = tpu.vector_load %arg11[%get3A_631, %get3A_632] {strides = array<i32>} : memref<2x128xi32, #tpu.memory_space<vmem>>, vector<16xi32>,
      tpu.vector_store_idx %arg13[%get3A_633], %broadcast_in_dim3A_3 {add = true} : memref<10240xf32, #tpu.memory_space<vmem>>[vector<16xi32>], vector<16xf32>,
      %get3A_634 = arith.constant 1 : i32
      %get3A_635 = arith.index_cast %get3A_634 : i32 to index
      %get3A_636 = arith.constant 32 : index
      %get3A_637 = tpu.vector_load %arg11[%get3A_635, %get3A_636] {strides = array<i32>} : memref<2x128xi32, #tpu.memory_space<vmem>>, vector<16xi32>,
      tpu.vector_store_idx %arg13[%get3A_637], %broadcast_in_dim3A_3 {add = true} : memref<10240xf32, #tpu.memory_space<vmem>>[vector<16xi32>], vector<16xf32>,
      %get3A_638 = arith.constant 1 : i32
      %get3A_639 = arith.index_cast %get3A_638 : i32 to index
      %get3A_640 = arith.constant 48 : index
      %get3A_641 = tpu.vector_load %arg11[%get3A_639, %get3A_640] {strides = array<i32>} : memref<2x128xi32, #tpu.memory_space<vmem>>, vector<16xi32>,
      tpu.vector_store_idx %arg13[%get3A_641], %broadcast_in_dim3A_3 {add = true} : memref<10240xf32, #tpu.memory_space<vmem>>[vector<16xi32>], vector<16xf32>,
      %get3A_642 = arith.constant 1 : i32
      %get3A_643 = arith.index_cast %get3A_642 : i32 to index
      %get3A_644 = arith.constant 64 : index
      %get3A_645 = tpu.vector_load %arg11[%get3A_643, %get3A_644] {strides = array<i32>} : memref<2x128xi32, #tpu.memory_space<vmem>>, vector<16xi32>,
      tpu.vector_store_idx %arg13[%get3A_645], %broadcast_in_dim3A_3 {add = true} : memref<10240xf32, #tpu.memory_space<vmem>>[vector<16xi32>], vector<16xf32>,
      %get3A_646 = arith.constant 1 : i32
      %get3A_647 = arith.index_cast %get3A_646 : i32 to index
      %get3A_648 = arith.constant 80 : index
      %get3A_649 = tpu.vector_load %arg11[%get3A_647, %get3A_648] {strides = array<i32>} : memref<2x128xi32, #tpu.memory_space<vmem>>, vector<16xi32>,
      tpu.vector_store_idx %arg13[%get3A_649], %broadcast_in_dim3A_3 {add = true} : memref<10240xf32, #tpu.memory_space<vmem>>[vector<16xi32>], vector<16xf32>,
      %get3A_650 = arith.constant 1 : i32
      %get3A_651 = arith.index_cast %get3A_650 : i32 to index
      %get3A_652 = arith.constant 96 : index
      %get3A_653 = tpu.vector_load %arg11[%get3A_651, %get3A_652] {strides = array<i32>} : memref<2x128xi32, #tpu.memory_space<vmem>>, vector<16xi32>,
      tpu.vector_store_idx %arg13[%get3A_653], %broadcast_in_dim3A_3 {add = true} : memref<10240xf32, #tpu.memory_space<vmem>>[vector<16xi32>], vector<16xf32>,
      %get3A_654 = arith.constant 1 : i32
      %get3A_655 = arith.index_cast %get3A_654 : i32 to index
      %get3A_656 = arith.constant 112 : index
      %get3A_657 = tpu.vector_load %arg11[%get3A_655, %get3A_656] {strides = array<i32>} : memref<2x128xi32, #tpu.memory_space<vmem>>, vector<16xi32>,
      tpu.vector_store_idx %arg13[%get3A_657], %broadcast_in_dim3A_3 {add = true} : memref<10240xf32, #tpu.memory_space<vmem>>[vector<16xi32>], vector<16xf32>,
      %add3A_658 = arith.constant 2 : i32
      %add3A_659 = arith.addi %add3A_499, %add3A_658 : i32
      %dma_wait3A_660 = arith.constant 0 : i32
      %dma_wait3A_661 = arith.constant 0 : i32
      %dma_wait3A_662 = tpu.memref_slice %arg2[%dma_wait3A_660, %dma_wait3A_661] : memref<10000x128xf32, #tpu.memory_space<hbm>> -> memref<128x128xf32, #tpu.memory_space<hbm>>
      %dma_wait3A_663 = arith.constant 0 : i32
      %dma_wait3A_664 = arith.constant 0 : i32
      %dma_wait3A_665 = tpu.memref_slice %arg2[%dma_wait3A_663, %dma_wait3A_664] : memref<10000x128xf32, #tpu.memory_space<hbm>> -> memref<128x128xf32, #tpu.memory_space<hbm>>
      tpu.wait_dma2 semaphore(%arg15 : memref<!tpu.dma_semaphore, #tpu.memory_space<semaphore_mem>>) src(%dma_wait3A_665 : memref<128x128xf32, #tpu.memory_space<hbm>>) dst(%arg10 : memref<128x128xf32, #tpu.memory_space<vmem>>)
      %dma_wait3A_666 = arith.constant 0 : i32
      %dma_wait3A_667 = arith.constant 0 : i32
      %dma_wait3A_668 = tpu.memref_slice %arg3[%dma_wait3A_666, %dma_wait3A_667] : memref<2x320000xi32, #tpu.memory_space<hbm>> -> memref<2x128xi32, #tpu.memory_space<hbm>>
      %dma_wait3A_669 = arith.constant 0 : i32
      %dma_wait3A_670 = arith.constant 0 : i32
      %dma_wait3A_671 = tpu.memref_slice %arg3[%dma_wait3A_669, %dma_wait3A_670] : memref<2x320000xi32, #tpu.memory_space<hbm>> -> memref<2x128xi32, #tpu.memory_space<hbm>>
      tpu.wait_dma2 semaphore(%arg14 : memref<!tpu.dma_semaphore, #tpu.memory_space<semaphore_mem>>) src(%dma_wait3A_671 : memref<2x128xi32, #tpu.memory_space<hbm>>) dst(%arg9 : memref<2x128xi32, #tpu.memory_space<vmem>>)
      %dma_wait3A_672 = arith.constant 1 : i32
      %dma_wait3A_673 = arith.constant 0 : i32
      %dma_wait3A_674 = tpu.memref_slice %arg11[%dma_wait3A_672, %dma_wait3A_673] : memref<2x128xi32, #tpu.memory_space<vmem>> -> memref<1x128xi32, #tpu.memory_space<vmem>>
      %dma_wait3A_675 = tpu.memref_squeeze %dma_wait3A_674 : memref<1x128xi32, #tpu.memory_space<vmem>> -> memref<128xi32, #tpu.memory_space<vmem>>
      %dma_wait3A_676 = arith.constant 0 : i32
      %dma_wait3A_677 = arith.constant 0 : i32
      %dma_wait3A_678 = tpu.memref_slice %arg6[%dma_wait3A_676, %dma_wait3A_677] : memref<10240x128xf32, #tpu.memory_space<vmem_shared>> -> memref<10240x128xf32, #tpu.memory_space<vmem_shared>>
      tpu.wait_indirect_dma semaphore(%arg16 : memref<!tpu.dma_semaphore, #tpu.memory_space<semaphore_mem>>) src(%arg8 : memref<128x128xf32, #tpu.memory_space<vmem>>) dst(%dma_wait3A_678 : memref<10240x128xf32, #tpu.memory_space<vmem_shared>>)
      %dma_start3A_679 = arith.constant 0 : i32
      %dma_start3A_680 = arith.constant 0 : i32
      %dma_start3A_681 = tpu.memref_slice %arg9[%dma_start3A_679, %dma_start3A_680] : memref<2x128xi32, #tpu.memory_space<vmem>> -> memref<1x128xi32, #tpu.memory_space<vmem>>
      %dma_start3A_682 = tpu.memref_squeeze %dma_start3A_681 : memref<1x128xi32, #tpu.memory_space<vmem>> -> memref<128xi32, #tpu.memory_space<vmem>>
      %dma_start3A_683 = arith.constant 0 : i32
      %dma_start3A_684 = arith.constant 0 : i32
      %dma_start3A_685 = tpu.memref_slice %arg2[%dma_start3A_683, %dma_start3A_684] : memref<10000x128xf32, #tpu.memory_space<hbm>> -> memref<10000x128xf32, #tpu.memory_space<hbm>>
      tpu.enqueue_indirect_dma source(%dma_start3A_685 : memref<10000x128xf32, #tpu.memory_space<hbm>>) target(%arg8 : memref<128x128xf32, #tpu.memory_space<vmem>>) offsets(%dma_start3A_682 : memref<128xi32, #tpu.memory_space<vmem>>) semaphore(%arg15 : memref<!tpu.dma_semaphore, #tpu.memory_space<semaphore_mem>>)
      %dma_start3A_686 = arith.constant 1 : i32
      %dma_start3A_687 = arith.constant 0 : i32
      %dma_start3A_688 = tpu.memref_slice %arg7[%dma_start3A_686, %dma_start3A_687] : memref<2x128xi32, #tpu.memory_space<vmem>> -> memref<1x128xi32, #tpu.memory_space<vmem>>
      %dma_start3A_689 = tpu.memref_squeeze %dma_start3A_688 : memref<1x128xi32, #tpu.memory_space<vmem>> -> memref<128xi32, #tpu.memory_space<vmem>>
      %dma_start3A_690 = arith.constant 0 : i32
      %dma_start3A_691 = arith.constant 0 : i32
      %dma_start3A_692 = tpu.memref_slice %arg6[%dma_start3A_690, %dma_start3A_691] : memref<10240x128xf32, #tpu.memory_space<vmem_shared>> -> memref<10240x128xf32, #tpu.memory_space<vmem_shared>>
      tpu.enqueue_indirect_dma source(%arg10 : memref<128x128xf32, #tpu.memory_space<vmem>>) target(%dma_start3A_692 : memref<10240x128xf32, #tpu.memory_space<vmem_shared>>) offsets(%dma_start3A_689 : memref<128xi32, #tpu.memory_space<vmem>>) semaphore(%arg16 : memref<!tpu.dma_semaphore, #tpu.memory_space<semaphore_mem>>) {add = true}
      %add3A_693 = arith.constant 2 : i32
      %add3A_694 = arith.addi %add3A_659, %add3A_693 : i32
      %mul3A_695 = arith.constant 32 : i32
      %mul3A_696 = arith.muli %mul3A_695, %add3A_694 : i32
      %add3A_697 = arith.addi %add3A, %mul3A_696 : i32
      %mul3A_698 = arith.constant 128 : i32
      %mul3A_699 = arith.muli %add3A_697, %mul3A_698 : i32
      %multiple_of3A_700 = tpu.assume_multiple %mul3A_699, 128 : i32
      %dma_start3A_701 = arith.constant 0 : i32
      %dma_start3A_702 = tpu.memref_slice %arg3[%dma_start3A_701, %multiple_of3A_700] : memref<2x320000xi32, #tpu.memory_space<hbm>> -> memref<2x128xi32, #tpu.memory_space<hbm>>
      %dma_start3A_703 = arith.constant 0 : i32
      %dma_start3A_704 = tpu.memref_slice %arg3[%dma_start3A_703, %multiple_of3A_700] : memref<2x320000xi32, #tpu.memory_space<hbm>> -> memref<2x128xi32, #tpu.memory_space<hbm>>
      tpu.enqueue_dma source(%dma_start3A_704 : memref<2x128xi32, #tpu.memory_space<hbm>>) target(%arg11 : memref<2x128xi32, #tpu.memory_space<vmem>>) target_semaphore(%arg14 : memref<!tpu.dma_semaphore, #tpu.memory_space<semaphore_mem>>)
      %get3A_705 = arith.constant 1 : i32
      %get3A_706 = arith.index_cast %get3A_705 : i32 to index
      %get3A_707 = arith.constant 0 : index
      %get3A_708 = tpu.vector_load %arg7[%get3A_706, %get3A_707] {strides = array<i32>} : memref<2x128xi32, #tpu.memory_space<vmem>>, vector<16xi32>,
      tpu.vector_store_idx %arg13[%get3A_708], %broadcast_in_dim3A_3 {add = true} : memref<10240xf32, #tpu.memory_space<vmem>>[vector<16xi32>], vector<16xf32>,
      %get3A_709 = arith.constant 1 : i32
      %get3A_710 = arith.index_cast %get3A_709 : i32 to index
      %get3A_711 = arith.constant 16 : index
      %get3A_712 = tpu.vector_load %arg7[%get3A_710, %get3A_711] {strides = array<i32>} : memref<2x128xi32, #tpu.memory_space<vmem>>, vector<16xi32>,
      tpu.vector_store_idx %arg13[%get3A_712], %broadcast_in_dim3A_3 {add = true} : memref<10240xf32, #tpu.memory_space<vmem>>[vector<16xi32>], vector<16xf32>,
      %get3A_713 = arith.constant 1 : i32
      %get3A_714 = arith.index_cast %get3A_713 : i32 to index
      %get3A_715 = arith.constant 32 : index
      %get3A_716 = tpu.vector_load %arg7[%get3A_714, %get3A_715] {strides = array<i32>} : memref<2x128xi32, #tpu.memory_space<vmem>>, vector<16xi32>,
      tpu.vector_store_idx %arg13[%get3A_716], %broadcast_in_dim3A_3 {add = true} : memref<10240xf32, #tpu.memory_space<vmem>>[vector<16xi32>], vector<16xf32>,
      %get3A_717 = arith.constant 1 : i32
      %get3A_718 = arith.index_cast %get3A_717 : i32 to index
      %get3A_719 = arith.constant 48 : index
      %get3A_720 = tpu.vector_load %arg7[%get3A_718, %get3A_719] {strides = array<i32>} : memref<2x128xi32, #tpu.memory_space<vmem>>, vector<16xi32>,
      tpu.vector_store_idx %arg13[%get3A_720], %broadcast_in_dim3A_3 {add = true} : memref<10240xf32, #tpu.memory_space<vmem>>[vector<16xi32>], vector<16xf32>,
      %get3A_721 = arith.constant 1 : i32
      %get3A_722 = arith.index_cast %get3A_721 : i32 to index
      %get3A_723 = arith.constant 64 : index
      %get3A_724 = tpu.vector_load %arg7[%get3A_722, %get3A_723] {strides = array<i32>} : memref<2x128xi32, #tpu.memory_space<vmem>>, vector<16xi32>,
      tpu.vector_store_idx %arg13[%get3A_724], %broadcast_in_dim3A_3 {add = true} : memref<10240xf32, #tpu.memory_space<vmem>>[vector<16xi32>], vector<16xf32>,
      %get3A_725 = arith.constant 1 : i32
      %get3A_726 = arith.index_cast %get3A_725 : i32 to index
      %get3A_727 = arith.constant 80 : index
      %get3A_728 = tpu.vector_load %arg7[%get3A_726, %get3A_727] {strides = array<i32>} : memref<2x128xi32, #tpu.memory_space<vmem>>, vector<16xi32>,
      tpu.vector_store_idx %arg13[%get3A_728], %broadcast_in_dim3A_3 {add = true} : memref<10240xf32, #tpu.memory_space<vmem>>[vector<16xi32>], vector<16xf32>,
      %get3A_729 = arith.constant 1 : i32
      %get3A_730 = arith.index_cast %get3A_729 : i32 to index
      %get3A_731 = arith.constant 96 : index
      %get3A_732 = tpu.vector_load %arg7[%get3A_730, %get3A_731] {strides = array<i32>} : memref<2x128xi32, #tpu.memory_space<vmem>>, vector<16xi32>,
      tpu.vector_store_idx %arg13[%get3A_732], %broadcast_in_dim3A_3 {add = true} : memref<10240xf32, #tpu.memory_space<vmem>>[vector<16xi32>], vector<16xf32>,
      %get3A_733 = arith.constant 1 : i32
      %get3A_734 = arith.index_cast %get3A_733 : i32 to index
      %get3A_735 = arith.constant 112 : index
      %get3A_736 = tpu.vector_load %arg7[%get3A_734, %get3A_735] {strides = array<i32>} : memref<2x128xi32, #tpu.memory_space<vmem>>, vector<16xi32>,
      tpu.vector_store_idx %arg13[%get3A_736], %broadcast_in_dim3A_3 {add = true} : memref<10240xf32, #tpu.memory_space<vmem>>[vector<16xi32>], vector<16xf32>,
      %add3A_737 = arith.constant 3 : i32
      %add3A_738 = arith.addi %add3A_499, %add3A_737 : i32
      %dma_wait3A_739 = arith.constant 0 : i32
      %dma_wait3A_740 = arith.constant 0 : i32
      %dma_wait3A_741 = tpu.memref_slice %arg2[%dma_wait3A_739, %dma_wait3A_740] : memref<10000x128xf32, #tpu.memory_space<hbm>> -> memref<128x128xf32, #tpu.memory_space<hbm>>
      %dma_wait3A_742 = arith.constant 0 : i32
      %dma_wait3A_743 = arith.constant 0 : i32
      %dma_wait3A_744 = tpu.memref_slice %arg2[%dma_wait3A_742, %dma_wait3A_743] : memref<10000x128xf32, #tpu.memory_space<hbm>> -> memref<128x128xf32, #tpu.memory_space<hbm>>
      tpu.wait_dma2 semaphore(%arg15 : memref<!tpu.dma_semaphore, #tpu.memory_space<semaphore_mem>>) src(%dma_wait3A_744 : memref<128x128xf32, #tpu.memory_space<hbm>>) dst(%arg8 : memref<128x128xf32, #tpu.memory_space<vmem>>)
      %dma_wait3A_745 = arith.constant 0 : i32
      %dma_wait3A_746 = arith.constant 0 : i32
      %dma_wait3A_747 = tpu.memref_slice %arg3[%dma_wait3A_745, %dma_wait3A_746] : memref<2x320000xi32, #tpu.memory_space<hbm>> -> memref<2x128xi32, #tpu.memory_space<hbm>>
      %dma_wait3A_748 = arith.constant 0 : i32
      %dma_wait3A_749 = arith.constant 0 : i32
      %dma_wait3A_750 = tpu.memref_slice %arg3[%dma_wait3A_748, %dma_wait3A_749] : memref<2x320000xi32, #tpu.memory_space<hbm>> -> memref<2x128xi32, #tpu.memory_space<hbm>>
      tpu.wait_dma2 semaphore(%arg14 : memref<!tpu.dma_semaphore, #tpu.memory_space<semaphore_mem>>) src(%dma_wait3A_750 : memref<2x128xi32, #tpu.memory_space<hbm>>) dst(%arg11 : memref<2x128xi32, #tpu.memory_space<vmem>>)
      %dma_wait3A_751 = arith.constant 1 : i32
      %dma_wait3A_752 = arith.constant 0 : i32
      %dma_wait3A_753 = tpu.memref_slice %arg7[%dma_wait3A_751, %dma_wait3A_752] : memref<2x128xi32, #tpu.memory_space<vmem>> -> memref<1x128xi32, #tpu.memory_space<vmem>>
      %dma_wait3A_754 = tpu.memref_squeeze %dma_wait3A_753 : memref<1x128xi32, #tpu.memory_space<vmem>> -> memref<128xi32, #tpu.memory_space<vmem>>
      %dma_wait3A_755 = arith.constant 0 : i32
      %dma_wait3A_756 = arith.constant 0 : i32
      %dma_wait3A_757 = tpu.memref_slice %arg6[%dma_wait3A_755, %dma_wait3A_756] : memref<10240x128xf32, #tpu.memory_space<vmem_shared>> -> memref<10240x128xf32, #tpu.memory_space<vmem_shared>>
      tpu.wait_indirect_dma semaphore(%arg16 : memref<!tpu.dma_semaphore, #tpu.memory_space<semaphore_mem>>) src(%arg10 : memref<128x128xf32, #tpu.memory_space<vmem>>) dst(%dma_wait3A_757 : memref<10240x128xf32, #tpu.memory_space<vmem_shared>>)
      %dma_start3A_758 = arith.constant 0 : i32
      %dma_start3A_759 = arith.constant 0 : i32
      %dma_start3A_760 = tpu.memref_slice %arg11[%dma_start3A_758, %dma_start3A_759] : memref<2x128xi32, #tpu.memory_space<vmem>> -> memref<1x128xi32, #tpu.memory_space<vmem>>
      %dma_start3A_761 = tpu.memref_squeeze %dma_start3A_760 : memref<1x128xi32, #tpu.memory_space<vmem>> -> memref<128xi32, #tpu.memory_space<vmem>>
      %dma_start3A_762 = arith.constant 0 : i32
      %dma_start3A_763 = arith.constant 0 : i32
      %dma_start3A_764 = tpu.memref_slice %arg2[%dma_start3A_762, %dma_start3A_763] : memref<10000x128xf32, #tpu.memory_space<hbm>> -> memref<10000x128xf32, #tpu.memory_space<hbm>>
      tpu.enqueue_indirect_dma source(%dma_start3A_764 : memref<10000x128xf32, #tpu.memory_space<hbm>>) target(%arg10 : memref<128x128xf32, #tpu.memory_space<vmem>>) offsets(%dma_start3A_761 : memref<128xi32, #tpu.memory_space<vmem>>) semaphore(%arg15 : memref<!tpu.dma_semaphore, #tpu.memory_space<semaphore_mem>>)
      %dma_start3A_765 = arith.constant 1 : i32
      %dma_start3A_766 = arith.constant 0 : i32
      %dma_start3A_767 = tpu.memref_slice %arg9[%dma_start3A_765, %dma_start3A_766] : memref<2x128xi32, #tpu.memory_space<vmem>> -> memref<1x128xi32, #tpu.memory_space<vmem>>
      %dma_start3A_768 = tpu.memref_squeeze %dma_start3A_767 : memref<1x128xi32, #tpu.memory_space<vmem>> -> memref<128xi32, #tpu.memory_space<vmem>>
      %dma_start3A_769 = arith.constant 0 : i32
      %dma_start3A_770 = arith.constant 0 : i32
      %dma_start3A_771 = tpu.memref_slice %arg6[%dma_start3A_769, %dma_start3A_770] : memref<10240x128xf32, #tpu.memory_space<vmem_shared>> -> memref<10240x128xf32, #tpu.memory_space<vmem_shared>>
      tpu.enqueue_indirect_dma source(%arg8 : memref<128x128xf32, #tpu.memory_space<vmem>>) target(%dma_start3A_771 : memref<10240x128xf32, #tpu.memory_space<vmem_shared>>) offsets(%dma_start3A_768 : memref<128xi32, #tpu.memory_space<vmem>>) semaphore(%arg16 : memref<!tpu.dma_semaphore, #tpu.memory_space<semaphore_mem>>) {add = true}
      %add3A_772 = arith.constant 2 : i32
      %add3A_773 = arith.addi %add3A_738, %add3A_772 : i32
      %mul3A_774 = arith.constant 32 : i32
      %mul3A_775 = arith.muli %mul3A_774, %add3A_773 : i32
      %add3A_776 = arith.addi %add3A, %mul3A_775 : i32
      %mul3A_777 = arith.constant 128 : i32
      %mul3A_778 = arith.muli %add3A_776, %mul3A_777 : i32
      %multiple_of3A_779 = tpu.assume_multiple %mul3A_778, 128 : i32
      %dma_start3A_780 = arith.constant 0 : i32
      %dma_start3A_781 = tpu.memref_slice %arg3[%dma_start3A_780, %multiple_of3A_779] : memref<2x320000xi32, #tpu.memory_space<hbm>> -> memref<2x128xi32, #tpu.memory_space<hbm>>
      %dma_start3A_782 = arith.constant 0 : i32
      %dma_start3A_783 = tpu.memref_slice %arg3[%dma_start3A_782, %multiple_of3A_779] : memref<2x320000xi32, #tpu.memory_space<hbm>> -> memref<2x128xi32, #tpu.memory_space<hbm>>
      tpu.enqueue_dma source(%dma_start3A_783 : memref<2x128xi32, #tpu.memory_space<hbm>>) target(%arg7 : memref<2x128xi32, #tpu.memory_space<vmem>>) target_semaphore(%arg14 : memref<!tpu.dma_semaphore, #tpu.memory_space<semaphore_mem>>)
      %get3A_784 = arith.constant 1 : i32
      %get3A_785 = arith.index_cast %get3A_784 : i32 to index
      %get3A_786 = arith.constant 0 : index
      %get3A_787 = tpu.vector_load %arg9[%get3A_785, %get3A_786] {strides = array<i32>} : memref<2x128xi32, #tpu.memory_space<vmem>>, vector<16xi32>,
      tpu.vector_store_idx %arg13[%get3A_787], %broadcast_in_dim3A_3 {add = true} : memref<10240xf32, #tpu.memory_space<vmem>>[vector<16xi32>], vector<16xf32>,
      %get3A_788 = arith.constant 1 : i32
      %get3A_789 = arith.index_cast %get3A_788 : i32 to index
      %get3A_790 = arith.constant 16 : index
      %get3A_791 = tpu.vector_load %arg9[%get3A_789, %get3A_790] {strides = array<i32>} : memref<2x128xi32, #tpu.memory_space<vmem>>, vector<16xi32>,
      tpu.vector_store_idx %arg13[%get3A_791], %broadcast_in_dim3A_3 {add = true} : memref<10240xf32, #tpu.memory_space<vmem>>[vector<16xi32>], vector<16xf32>,
      %get3A_792 = arith.constant 1 : i32
      %get3A_793 = arith.index_cast %get3A_792 : i32 to index
      %get3A_794 = arith.constant 32 : index
      %get3A_795 = tpu.vector_load %arg9[%get3A_793, %get3A_794] {strides = array<i32>} : memref<2x128xi32, #tpu.memory_space<vmem>>, vector<16xi32>,
      tpu.vector_store_idx %arg13[%get3A_795], %broadcast_in_dim3A_3 {add = true} : memref<10240xf32, #tpu.memory_space<vmem>>[vector<16xi32>], vector<16xf32>,
      %get3A_796 = arith.constant 1 : i32
      %get3A_797 = arith.index_cast %get3A_796 : i32 to index
      %get3A_798 = arith.constant 48 : index
      %get3A_799 = tpu.vector_load %arg9[%get3A_797, %get3A_798] {strides = array<i32>} : memref<2x128xi32, #tpu.memory_space<vmem>>, vector<16xi32>,
      tpu.vector_store_idx %arg13[%get3A_799], %broadcast_in_dim3A_3 {add = true} : memref<10240xf32, #tpu.memory_space<vmem>>[vector<16xi32>], vector<16xf32>,
      %get3A_800 = arith.constant 1 : i32
      %get3A_801 = arith.index_cast %get3A_800 : i32 to index
      %get3A_802 = arith.constant 64 : index
      %get3A_803 = tpu.vector_load %arg9[%get3A_801, %get3A_802] {strides = array<i32>} : memref<2x128xi32, #tpu.memory_space<vmem>>, vector<16xi32>,
      tpu.vector_store_idx %arg13[%get3A_803], %broadcast_in_dim3A_3 {add = true} : memref<10240xf32, #tpu.memory_space<vmem>>[vector<16xi32>], vector<16xf32>,
      %get3A_804 = arith.constant 1 : i32
      %get3A_805 = arith.index_cast %get3A_804 : i32 to index
      %get3A_806 = arith.constant 80 : index
      %get3A_807 = tpu.vector_load %arg9[%get3A_805, %get3A_806] {strides = array<i32>} : memref<2x128xi32, #tpu.memory_space<vmem>>, vector<16xi32>,
      tpu.vector_store_idx %arg13[%get3A_807], %broadcast_in_dim3A_3 {add = true} : memref<10240xf32, #tpu.memory_space<vmem>>[vector<16xi32>], vector<16xf32>,
      %get3A_808 = arith.constant 1 : i32
      %get3A_809 = arith.index_cast %get3A_808 : i32 to index
      %get3A_810 = arith.constant 96 : index
      %get3A_811 = tpu.vector_load %arg9[%get3A_809, %get3A_810] {strides = array<i32>} : memref<2x128xi32, #tpu.memory_space<vmem>>, vector<16xi32>,
      tpu.vector_store_idx %arg13[%get3A_811], %broadcast_in_dim3A_3 {add = true} : memref<10240xf32, #tpu.memory_space<vmem>>[vector<16xi32>], vector<16xf32>,
      %get3A_812 = arith.constant 1 : i32
      %get3A_813 = arith.index_cast %get3A_812 : i32 to index
      %get3A_814 = arith.constant 112 : index
      %get3A_815 = tpu.vector_load %arg9[%get3A_813, %get3A_814] {strides = array<i32>} : memref<2x128xi32, #tpu.memory_space<vmem>>, vector<16xi32>,
      tpu.vector_store_idx %arg13[%get3A_815], %broadcast_in_dim3A_3 {add = true} : memref<10240xf32, #tpu.memory_space<vmem>>[vector<16xi32>], vector<16xf32>,
      %add3A_816 = arith.constant 4 : i32
      %add3A_817 = arith.addi %add3A_499, %add3A_816 : i32
      %dma_wait3A_818 = arith.constant 0 : i32
      %dma_wait3A_819 = arith.constant 0 : i32
      %dma_wait3A_820 = tpu.memref_slice %arg2[%dma_wait3A_818, %dma_wait3A_819] : memref<10000x128xf32, #tpu.memory_space<hbm>> -> memref<128x128xf32, #tpu.memory_space<hbm>>
      %dma_wait3A_821 = arith.constant 0 : i32
      %dma_wait3A_822 = arith.constant 0 : i32
      %dma_wait3A_823 = tpu.memref_slice %arg2[%dma_wait3A_821, %dma_wait3A_822] : memref<10000x128xf32, #tpu.memory_space<hbm>> -> memref<128x128xf32, #tpu.memory_space<hbm>>
      tpu.wait_dma2 semaphore(%arg15 : memref<!tpu.dma_semaphore, #tpu.memory_space<semaphore_mem>>) src(%dma_wait3A_823 : memref<128x128xf32, #tpu.memory_space<hbm>>) dst(%arg10 : memref<128x128xf32, #tpu.memory_space<vmem>>)
      %dma_wait3A_824 = arith.constant 0 : i32
      %dma_wait3A_825 = arith.constant 0 : i32
      %dma_wait3A_826 = tpu.memref_slice %arg3[%dma_wait3A_824, %dma_wait3A_825] : memref<2x320000xi32, #tpu.memory_space<hbm>> -> memref<2x128xi32, #tpu.memory_space<hbm>>
      %dma_wait3A_827 = arith.constant 0 : i32
      %dma_wait3A_828 = arith.constant 0 : i32
      %dma_wait3A_829 = tpu.memref_slice %arg3[%dma_wait3A_827, %dma_wait3A_828] : memref<2x320000xi32, #tpu.memory_space<hbm>> -> memref<2x128xi32, #tpu.memory_space<hbm>>
      tpu.wait_dma2 semaphore(%arg14 : memref<!tpu.dma_semaphore, #tpu.memory_space<semaphore_mem>>) src(%dma_wait3A_829 : memref<2x128xi32, #tpu.memory_space<hbm>>) dst(%arg7 : memref<2x128xi32, #tpu.memory_space<vmem>>)
      %dma_wait3A_830 = arith.constant 1 : i32
      %dma_wait3A_831 = arith.constant 0 : i32
      %dma_wait3A_832 = tpu.memref_slice %arg9[%dma_wait3A_830, %dma_wait3A_831] : memref<2x128xi32, #tpu.memory_space<vmem>> -> memref<1x128xi32, #tpu.memory_space<vmem>>
      %dma_wait3A_833 = tpu.memref_squeeze %dma_wait3A_832 : memref<1x128xi32, #tpu.memory_space<vmem>> -> memref<128xi32, #tpu.memory_space<vmem>>
      %dma_wait3A_834 = arith.constant 0 : i32
      %dma_wait3A_835 = arith.constant 0 : i32
      %dma_wait3A_836 = tpu.memref_slice %arg6[%dma_wait3A_834, %dma_wait3A_835] : memref<10240x128xf32, #tpu.memory_space<vmem_shared>> -> memref<10240x128xf32, #tpu.memory_space<vmem_shared>>
      tpu.wait_indirect_dma semaphore(%arg16 : memref<!tpu.dma_semaphore, #tpu.memory_space<semaphore_mem>>) src(%arg8 : memref<128x128xf32, #tpu.memory_space<vmem>>) dst(%dma_wait3A_836 : memref<10240x128xf32, #tpu.memory_space<vmem_shared>>)
      %dma_start3A_837 = arith.constant 0 : i32
      %dma_start3A_838 = arith.constant 0 : i32
      %dma_start3A_839 = tpu.memref_slice %arg7[%dma_start3A_837, %dma_start3A_838] : memref<2x128xi32, #tpu.memory_space<vmem>> -> memref<1x128xi32, #tpu.memory_space<vmem>>
      %dma_start3A_840 = tpu.memref_squeeze %dma_start3A_839 : memref<1x128xi32, #tpu.memory_space<vmem>> -> memref<128xi32, #tpu.memory_space<vmem>>
      %dma_start3A_841 = arith.constant 0 : i32
      %dma_start3A_842 = arith.constant 0 : i32
      %dma_start3A_843 = tpu.memref_slice %arg2[%dma_start3A_841, %dma_start3A_842] : memref<10000x128xf32, #tpu.memory_space<hbm>> -> memref<10000x128xf32, #tpu.memory_space<hbm>>
      tpu.enqueue_indirect_dma source(%dma_start3A_843 : memref<10000x128xf32, #tpu.memory_space<hbm>>) target(%arg8 : memref<128x128xf32, #tpu.memory_space<vmem>>) offsets(%dma_start3A_840 : memref<128xi32, #tpu.memory_space<vmem>>) semaphore(%arg15 : memref<!tpu.dma_semaphore, #tpu.memory_space<semaphore_mem>>)
      %dma_start3A_844 = arith.constant 1 : i32
      %dma_start3A_845 = arith.constant 0 : i32
      %dma_start3A_846 = tpu.memref_slice %arg11[%dma_start3A_844, %dma_start3A_845] : memref<2x128xi32, #tpu.memory_space<vmem>> -> memref<1x128xi32, #tpu.memory_space<vmem>>
      %dma_start3A_847 = tpu.memref_squeeze %dma_start3A_846 : memref<1x128xi32, #tpu.memory_space<vmem>> -> memref<128xi32, #tpu.memory_space<vmem>>
      %dma_start3A_848 = arith.constant 0 : i32
      %dma_start3A_849 = arith.constant 0 : i32
      %dma_start3A_850 = tpu.memref_slice %arg6[%dma_start3A_848, %dma_start3A_849] : memref<10240x128xf32, #tpu.memory_space<vmem_shared>> -> memref<10240x128xf32, #tpu.memory_space<vmem_shared>>
      tpu.enqueue_indirect_dma source(%arg10 : memref<128x128xf32, #tpu.memory_space<vmem>>) target(%dma_start3A_850 : memref<10240x128xf32, #tpu.memory_space<vmem_shared>>) offsets(%dma_start3A_847 : memref<128xi32, #tpu.memory_space<vmem>>) semaphore(%arg16 : memref<!tpu.dma_semaphore, #tpu.memory_space<semaphore_mem>>) {add = true}
      %add3A_851 = arith.constant 2 : i32
      %add3A_852 = arith.addi %add3A_817, %add3A_851 : i32
      %mul3A_853 = arith.constant 32 : i32
      %mul3A_854 = arith.muli %mul3A_853, %add3A_852 : i32
      %add3A_855 = arith.addi %add3A, %mul3A_854 : i32
      %mul3A_856 = arith.constant 128 : i32
      %mul3A_857 = arith.muli %add3A_855, %mul3A_856 : i32
      %multiple_of3A_858 = tpu.assume_multiple %mul3A_857, 128 : i32
      %dma_start3A_859 = arith.constant 0 : i32
      %dma_start3A_860 = tpu.memref_slice %arg3[%dma_start3A_859, %multiple_of3A_858] : memref<2x320000xi32, #tpu.memory_space<hbm>> -> memref<2x128xi32, #tpu.memory_space<hbm>>
      %dma_start3A_861 = arith.constant 0 : i32
      %dma_start3A_862 = tpu.memref_slice %arg3[%dma_start3A_861, %multiple_of3A_858] : memref<2x320000xi32, #tpu.memory_space<hbm>> -> memref<2x128xi32, #tpu.memory_space<hbm>>
      tpu.enqueue_dma source(%dma_start3A_862 : memref<2x128xi32, #tpu.memory_space<hbm>>) target(%arg9 : memref<2x128xi32, #tpu.memory_space<vmem>>) target_semaphore(%arg14 : memref<!tpu.dma_semaphore, #tpu.memory_space<semaphore_mem>>)
      %get3A_863 = arith.constant 1 : i32
      %get3A_864 = arith.index_cast %get3A_863 : i32 to index
      %get3A_865 = arith.constant 0 : index
      %get3A_866 = tpu.vector_load %arg11[%get3A_864, %get3A_865] {strides = array<i32>} : memref<2x128xi32, #tpu.memory_space<vmem>>, vector<16xi32>,
      tpu.vector_store_idx %arg13[%get3A_866], %broadcast_in_dim3A_3 {add = true} : memref<10240xf32, #tpu.memory_space<vmem>>[vector<16xi32>], vector<16xf32>,
      %get3A_867 = arith.constant 1 : i32
      %get3A_868 = arith.index_cast %get3A_867 : i32 to index
      %get3A_869 = arith.constant 16 : index
      %get3A_870 = tpu.vector_load %arg11[%get3A_868, %get3A_869] {strides = array<i32>} : memref<2x128xi32, #tpu.memory_space<vmem>>, vector<16xi32>,
      tpu.vector_store_idx %arg13[%get3A_870], %broadcast_in_dim3A_3 {add = true} : memref<10240xf32, #tpu.memory_space<vmem>>[vector<16xi32>], vector<16xf32>,
      %get3A_871 = arith.constant 1 : i32
      %get3A_872 = arith.index_cast %get3A_871 : i32 to index
      %get3A_873 = arith.constant 32 : index
      %get3A_874 = tpu.vector_load %arg11[%get3A_872, %get3A_873] {strides = array<i32>} : memref<2x128xi32, #tpu.memory_space<vmem>>, vector<16xi32>,
      tpu.vector_store_idx %arg13[%get3A_874], %broadcast_in_dim3A_3 {add = true} : memref<10240xf32, #tpu.memory_space<vmem>>[vector<16xi32>], vector<16xf32>,
      %get3A_875 = arith.constant 1 : i32
      %get3A_876 = arith.index_cast %get3A_875 : i32 to index
      %get3A_877 = arith.constant 48 : index
      %get3A_878 = tpu.vector_load %arg11[%get3A_876, %get3A_877] {strides = array<i32>} : memref<2x128xi32, #tpu.memory_space<vmem>>, vector<16xi32>,
      tpu.vector_store_idx %arg13[%get3A_878], %broadcast_in_dim3A_3 {add = true} : memref<10240xf32, #tpu.memory_space<vmem>>[vector<16xi32>], vector<16xf32>,
      %get3A_879 = arith.constant 1 : i32
      %get3A_880 = arith.index_cast %get3A_879 : i32 to index
      %get3A_881 = arith.constant 64 : index
      %get3A_882 = tpu.vector_load %arg11[%get3A_880, %get3A_881] {strides = array<i32>} : memref<2x128xi32, #tpu.memory_space<vmem>>, vector<16xi32>,
      tpu.vector_store_idx %arg13[%get3A_882], %broadcast_in_dim3A_3 {add = true} : memref<10240xf32, #tpu.memory_space<vmem>>[vector<16xi32>], vector<16xf32>,
      %get3A_883 = arith.constant 1 : i32
      %get3A_884 = arith.index_cast %get3A_883 : i32 to index
      %get3A_885 = arith.constant 80 : index
      %get3A_886 = tpu.vector_load %arg11[%get3A_884, %get3A_885] {strides = array<i32>} : memref<2x128xi32, #tpu.memory_space<vmem>>, vector<16xi32>,
      tpu.vector_store_idx %arg13[%get3A_886], %broadcast_in_dim3A_3 {add = true} : memref<10240xf32, #tpu.memory_space<vmem>>[vector<16xi32>], vector<16xf32>,
      %get3A_887 = arith.constant 1 : i32
      %get3A_888 = arith.index_cast %get3A_887 : i32 to index
      %get3A_889 = arith.constant 96 : index
      %get3A_890 = tpu.vector_load %arg11[%get3A_888, %get3A_889] {strides = array<i32>} : memref<2x128xi32, #tpu.memory_space<vmem>>, vector<16xi32>,
      tpu.vector_store_idx %arg13[%get3A_890], %broadcast_in_dim3A_3 {add = true} : memref<10240xf32, #tpu.memory_space<vmem>>[vector<16xi32>], vector<16xf32>,
      %get3A_891 = arith.constant 1 : i32
      %get3A_892 = arith.index_cast %get3A_891 : i32 to index
      %get3A_893 = arith.constant 112 : index
      %get3A_894 = tpu.vector_load %arg11[%get3A_892, %get3A_893] {strides = array<i32>} : memref<2x128xi32, #tpu.memory_space<vmem>>, vector<16xi32>,
      tpu.vector_store_idx %arg13[%get3A_894], %broadcast_in_dim3A_3 {add = true} : memref<10240xf32, #tpu.memory_space<vmem>>[vector<16xi32>], vector<16xf32>,
      %add3A_895 = arith.constant 5 : i32
      %add3A_896 = arith.addi %add3A_499, %add3A_895 : i32
      %dma_wait3A_897 = arith.constant 0 : i32
      %dma_wait3A_898 = arith.constant 0 : i32
      %dma_wait3A_899 = tpu.memref_slice %arg2[%dma_wait3A_897, %dma_wait3A_898] : memref<10000x128xf32, #tpu.memory_space<hbm>> -> memref<128x128xf32, #tpu.memory_space<hbm>>
      %dma_wait3A_900 = arith.constant 0 : i32
      %dma_wait3A_901 = arith.constant 0 : i32
      %dma_wait3A_902 = tpu.memref_slice %arg2[%dma_wait3A_900, %dma_wait3A_901] : memref<10000x128xf32, #tpu.memory_space<hbm>> -> memref<128x128xf32, #tpu.memory_space<hbm>>
      tpu.wait_dma2 semaphore(%arg15 : memref<!tpu.dma_semaphore, #tpu.memory_space<semaphore_mem>>) src(%dma_wait3A_902 : memref<128x128xf32, #tpu.memory_space<hbm>>) dst(%arg8 : memref<128x128xf32, #tpu.memory_space<vmem>>)
      %dma_wait3A_903 = arith.constant 0 : i32
      %dma_wait3A_904 = arith.constant 0 : i32
      %dma_wait3A_905 = tpu.memref_slice %arg3[%dma_wait3A_903, %dma_wait3A_904] : memref<2x320000xi32, #tpu.memory_space<hbm>> -> memref<2x128xi32, #tpu.memory_space<hbm>>
      %dma_wait3A_906 = arith.constant 0 : i32
      %dma_wait3A_907 = arith.constant 0 : i32
      %dma_wait3A_908 = tpu.memref_slice %arg3[%dma_wait3A_906, %dma_wait3A_907] : memref<2x320000xi32, #tpu.memory_space<hbm>> -> memref<2x128xi32, #tpu.memory_space<hbm>>
      tpu.wait_dma2 semaphore(%arg14 : memref<!tpu.dma_semaphore, #tpu.memory_space<semaphore_mem>>) src(%dma_wait3A_908 : memref<2x128xi32, #tpu.memory_space<hbm>>) dst(%arg9 : memref<2x128xi32, #tpu.memory_space<vmem>>)
      %dma_wait3A_909 = arith.constant 1 : i32
      %dma_wait3A_910 = arith.constant 0 : i32
      %dma_wait3A_911 = tpu.memref_slice %arg11[%dma_wait3A_909, %dma_wait3A_910] : memref<2x128xi32, #tpu.memory_space<vmem>> -> memref<1x128xi32, #tpu.memory_space<vmem>>
      %dma_wait3A_912 = tpu.memref_squeeze %dma_wait3A_911 : memref<1x128xi32, #tpu.memory_space<vmem>> -> memref<128xi32, #tpu.memory_space<vmem>>
      %dma_wait3A_913 = arith.constant 0 : i32
      %dma_wait3A_914 = arith.constant 0 : i32
      %dma_wait3A_915 = tpu.memref_slice %arg6[%dma_wait3A_913, %dma_wait3A_914] : memref<10240x128xf32, #tpu.memory_space<vmem_shared>> -> memref<10240x128xf32, #tpu.memory_space<vmem_shared>>
      tpu.wait_indirect_dma semaphore(%arg16 : memref<!tpu.dma_semaphore, #tpu.memory_space<semaphore_mem>>) src(%arg10 : memref<128x128xf32, #tpu.memory_space<vmem>>) dst(%dma_wait3A_915 : memref<10240x128xf32, #tpu.memory_space<vmem_shared>>)
      %dma_start3A_916 = arith.constant 0 : i32
      %dma_start3A_917 = arith.constant 0 : i32
      %dma_start3A_918 = tpu.memref_slice %arg9[%dma_start3A_916, %dma_start3A_917] : memref<2x128xi32, #tpu.memory_space<vmem>> -> memref<1x128xi32, #tpu.memory_space<vmem>>
      %dma_start3A_919 = tpu.memref_squeeze %dma_start3A_918 : memref<1x128xi32, #tpu.memory_space<vmem>> -> memref<128xi32, #tpu.memory_space<vmem>>
      %dma_start3A_920 = arith.constant 0 : i32
      %dma_start3A_921 = arith.constant 0 : i32
      %dma_start3A_922 = tpu.memref_slice %arg2[%dma_start3A_920, %dma_start3A_921] : memref<10000x128xf32, #tpu.memory_space<hbm>> -> memref<10000x128xf32, #tpu.memory_space<hbm>>
      tpu.enqueue_indirect_dma source(%dma_start3A_922 : memref<10000x128xf32, #tpu.memory_space<hbm>>) target(%arg10 : memref<128x128xf32, #tpu.memory_space<vmem>>) offsets(%dma_start3A_919 : memref<128xi32, #tpu.memory_space<vmem>>) semaphore(%arg15 : memref<!tpu.dma_semaphore, #tpu.memory_space<semaphore_mem>>)
      %dma_start3A_923 = arith.constant 1 : i32
      %dma_start3A_924 = arith.constant 0 : i32
      %dma_start3A_925 = tpu.memref_slice %arg7[%dma_start3A_923, %dma_start3A_924] : memref<2x128xi32, #tpu.memory_space<vmem>> -> memref<1x128xi32, #tpu.memory_space<vmem>>
      %dma_start3A_926 = tpu.memref_squeeze %dma_start3A_925 : memref<1x128xi32, #tpu.memory_space<vmem>> -> memref<128xi32, #tpu.memory_space<vmem>>
      %dma_start3A_927 = arith.constant 0 : i32
      %dma_start3A_928 = arith.constant 0 : i32
      %dma_start3A_929 = tpu.memref_slice %arg6[%dma_start3A_927, %dma_start3A_928] : memref<10240x128xf32, #tpu.memory_space<vmem_shared>> -> memref<10240x128xf32, #tpu.memory_space<vmem_shared>>
      tpu.enqueue_indirect_dma source(%arg8 : memref<128x128xf32, #tpu.memory_space<vmem>>) target(%dma_start3A_929 : memref<10240x128xf32, #tpu.memory_space<vmem_shared>>) offsets(%dma_start3A_926 : memref<128xi32, #tpu.memory_space<vmem>>) semaphore(%arg16 : memref<!tpu.dma_semaphore, #tpu.memory_space<semaphore_mem>>) {add = true}
      %add3A_930 = arith.constant 2 : i32
      %add3A_931 = arith.addi %add3A_896, %add3A_930 : i32
      %mul3A_932 = arith.constant 32 : i32
      %mul3A_933 = arith.muli %mul3A_932, %add3A_931 : i32
      %add3A_934 = arith.addi %add3A, %mul3A_933 : i32
      %mul3A_935 = arith.constant 128 : i32
      %mul3A_936 = arith.muli %add3A_934, %mul3A_935 : i32
      %multiple_of3A_937 = tpu.assume_multiple %mul3A_936, 128 : i32
      %dma_start3A_938 = arith.constant 0 : i32
      %dma_start3A_939 = tpu.memref_slice %arg3[%dma_start3A_938, %multiple_of3A_937] : memref<2x320000xi32, #tpu.memory_space<hbm>> -> memref<2x128xi32, #tpu.memory_space<hbm>>
      %dma_start3A_940 = arith.constant 0 : i32
      %dma_start3A_941 = tpu.memref_slice %arg3[%dma_start3A_940, %multiple_of3A_937] : memref<2x320000xi32, #tpu.memory_space<hbm>> -> memref<2x128xi32, #tpu.memory_space<hbm>>
      tpu.enqueue_dma source(%dma_start3A_941 : memref<2x128xi32, #tpu.memory_space<hbm>>) target(%arg11 : memref<2x128xi32, #tpu.memory_space<vmem>>) target_semaphore(%arg14 : memref<!tpu.dma_semaphore, #tpu.memory_space<semaphore_mem>>)
      %get3A_942 = arith.constant 1 : i32
      %get3A_943 = arith.index_cast %get3A_942 : i32 to index
      %get3A_944 = arith.constant 0 : index
      %get3A_945 = tpu.vector_load %arg7[%get3A_943, %get3A_944] {strides = array<i32>} : memref<2x128xi32, #tpu.memory_space<vmem>>, vector<16xi32>,
      tpu.vector_store_idx %arg13[%get3A_945], %broadcast_in_dim3A_3 {add = true} : memref<10240xf32, #tpu.memory_space<vmem>>[vector<16xi32>], vector<16xf32>,
      %get3A_946 = arith.constant 1 : i32
      %get3A_947 = arith.index_cast %get3A_946 : i32 to index
      %get3A_948 = arith.constant 16 : index
      %get3A_949 = tpu.vector_load %arg7[%get3A_947, %get3A_948] {strides = array<i32>} : memref<2x128xi32, #tpu.memory_space<vmem>>, vector<16xi32>,
      tpu.vector_store_idx %arg13[%get3A_949], %broadcast_in_dim3A_3 {add = true} : memref<10240xf32, #tpu.memory_space<vmem>>[vector<16xi32>], vector<16xf32>,
      %get3A_950 = arith.constant 1 : i32
      %get3A_951 = arith.index_cast %get3A_950 : i32 to index
      %get3A_952 = arith.constant 32 : index
      %get3A_953 = tpu.vector_load %arg7[%get3A_951, %get3A_952] {strides = array<i32>} : memref<2x128xi32, #tpu.memory_space<vmem>>, vector<16xi32>,
      tpu.vector_store_idx %arg13[%get3A_953], %broadcast_in_dim3A_3 {add = true} : memref<10240xf32, #tpu.memory_space<vmem>>[vector<16xi32>], vector<16xf32>,
      %get3A_954 = arith.constant 1 : i32
      %get3A_955 = arith.index_cast %get3A_954 : i32 to index
      %get3A_956 = arith.constant 48 : index
      %get3A_957 = tpu.vector_load %arg7[%get3A_955, %get3A_956] {strides = array<i32>} : memref<2x128xi32, #tpu.memory_space<vmem>>, vector<16xi32>,
      tpu.vector_store_idx %arg13[%get3A_957], %broadcast_in_dim3A_3 {add = true} : memref<10240xf32, #tpu.memory_space<vmem>>[vector<16xi32>], vector<16xf32>,
      %get3A_958 = arith.constant 1 : i32
      %get3A_959 = arith.index_cast %get3A_958 : i32 to index
      %get3A_960 = arith.constant 64 : index
      %get3A_961 = tpu.vector_load %arg7[%get3A_959, %get3A_960] {strides = array<i32>} : memref<2x128xi32, #tpu.memory_space<vmem>>, vector<16xi32>,
      tpu.vector_store_idx %arg13[%get3A_961], %broadcast_in_dim3A_3 {add = true} : memref<10240xf32, #tpu.memory_space<vmem>>[vector<16xi32>], vector<16xf32>,
      %get3A_962 = arith.constant 1 : i32
      %get3A_963 = arith.index_cast %get3A_962 : i32 to index
      %get3A_964 = arith.constant 80 : index
      %get3A_965 = tpu.vector_load %arg7[%get3A_963, %get3A_964] {strides = array<i32>} : memref<2x128xi32, #tpu.memory_space<vmem>>, vector<16xi32>,
      tpu.vector_store_idx %arg13[%get3A_965], %broadcast_in_dim3A_3 {add = true} : memref<10240xf32, #tpu.memory_space<vmem>>[vector<16xi32>], vector<16xf32>,
      %get3A_966 = arith.constant 1 : i32
      %get3A_967 = arith.index_cast %get3A_966 : i32 to index
      %get3A_968 = arith.constant 96 : index
      %get3A_969 = tpu.vector_load %arg7[%get3A_967, %get3A_968] {strides = array<i32>} : memref<2x128xi32, #tpu.memory_space<vmem>>, vector<16xi32>,
      tpu.vector_store_idx %arg13[%get3A_969], %broadcast_in_dim3A_3 {add = true} : memref<10240xf32, #tpu.memory_space<vmem>>[vector<16xi32>], vector<16xf32>,
      %get3A_970 = arith.constant 1 : i32
      %get3A_971 = arith.index_cast %get3A_970 : i32 to index
      %get3A_972 = arith.constant 112 : index
      %get3A_973 = tpu.vector_load %arg7[%get3A_971, %get3A_972] {strides = array<i32>} : memref<2x128xi32, #tpu.memory_space<vmem>>, vector<16xi32>,
      tpu.vector_store_idx %arg13[%get3A_973], %broadcast_in_dim3A_3 {add = true} : memref<10240xf32, #tpu.memory_space<vmem>>[vector<16xi32>], vector<16xf32>,
    }
    %scan3A_139 = arith.constant 12 : i32
    %dma_wait3A_140 = arith.constant 0 : i32
    %dma_wait3A_141 = arith.constant 0 : i32
    %dma_wait3A_142 = tpu.memref_slice %arg2[%dma_wait3A_140, %dma_wait3A_141] : memref<10000x128xf32, #tpu.memory_space<hbm>> -> memref<128x128xf32, #tpu.memory_space<hbm>>
    %dma_wait3A_143 = arith.constant 0 : i32
    %dma_wait3A_144 = arith.constant 0 : i32
    %dma_wait3A_145 = tpu.memref_slice %arg2[%dma_wait3A_143, %dma_wait3A_144] : memref<10000x128xf32, #tpu.memory_space<hbm>> -> memref<128x128xf32, #tpu.memory_space<hbm>>
    tpu.wait_dma2 semaphore(%arg15 : memref<!tpu.dma_semaphore, #tpu.memory_space<semaphore_mem>>) src(%dma_wait3A_145 : memref<128x128xf32, #tpu.memory_space<hbm>>) dst(%arg10 : memref<128x128xf32, #tpu.memory_space<vmem>>)
    %dma_wait3A_146 = arith.constant 0 : i32
    %dma_wait3A_147 = arith.constant 0 : i32
    %dma_wait3A_148 = tpu.memref_slice %arg3[%dma_wait3A_146, %dma_wait3A_147] : memref<2x320000xi32, #tpu.memory_space<hbm>> -> memref<2x128xi32, #tpu.memory_space<hbm>>
    %dma_wait3A_149 = arith.constant 0 : i32
    %dma_wait3A_150 = arith.constant 0 : i32
    %dma_wait3A_151 = tpu.memref_slice %arg3[%dma_wait3A_149, %dma_wait3A_150] : memref<2x320000xi32, #tpu.memory_space<hbm>> -> memref<2x128xi32, #tpu.memory_space<hbm>>
    tpu.wait_dma2 semaphore(%arg14 : memref<!tpu.dma_semaphore, #tpu.memory_space<semaphore_mem>>) src(%dma_wait3A_151 : memref<2x128xi32, #tpu.memory_space<hbm>>) dst(%arg11 : memref<2x128xi32, #tpu.memory_space<vmem>>)
    %dma_wait3A_152 = arith.constant 1 : i32
    %dma_wait3A_153 = arith.constant 0 : i32
    %dma_wait3A_154 = tpu.memref_slice %arg7[%dma_wait3A_152, %dma_wait3A_153] : memref<2x128xi32, #tpu.memory_space<vmem>> -> memref<1x128xi32, #tpu.memory_space<vmem>>
    %dma_wait3A_155 = tpu.memref_squeeze %dma_wait3A_154 : memref<1x128xi32, #tpu.memory_space<vmem>> -> memref<128xi32, #tpu.memory_space<vmem>>
    %dma_wait3A_156 = arith.constant 0 : i32
    %dma_wait3A_157 = arith.constant 0 : i32
    %dma_wait3A_158 = tpu.memref_slice %arg6[%dma_wait3A_156, %dma_wait3A_157] : memref<10240x128xf32, #tpu.memory_space<vmem_shared>> -> memref<10240x128xf32, #tpu.memory_space<vmem_shared>>
    tpu.wait_indirect_dma semaphore(%arg16 : memref<!tpu.dma_semaphore, #tpu.memory_space<semaphore_mem>>) src(%arg8 : memref<128x128xf32, #tpu.memory_space<vmem>>) dst(%dma_wait3A_158 : memref<10240x128xf32, #tpu.memory_space<vmem_shared>>)
    %dma_start3A_159 = arith.constant 0 : i32
    %dma_start3A_160 = arith.constant 0 : i32
    %dma_start3A_161 = tpu.memref_slice %arg11[%dma_start3A_159, %dma_start3A_160] : memref<2x128xi32, #tpu.memory_space<vmem>> -> memref<1x128xi32, #tpu.memory_space<vmem>>
    %dma_start3A_162 = tpu.memref_squeeze %dma_start3A_161 : memref<1x128xi32, #tpu.memory_space<vmem>> -> memref<128xi32, #tpu.memory_space<vmem>>
    %dma_start3A_163 = arith.constant 0 : i32
    %dma_start3A_164 = arith.constant 0 : i32
    %dma_start3A_165 = tpu.memref_slice %arg2[%dma_start3A_163, %dma_start3A_164] : memref<10000x128xf32, #tpu.memory_space<hbm>> -> memref<10000x128xf32, #tpu.memory_space<hbm>>
    tpu.enqueue_indirect_dma source(%dma_start3A_165 : memref<10000x128xf32, #tpu.memory_space<hbm>>) target(%arg8 : memref<128x128xf32, #tpu.memory_space<vmem>>) offsets(%dma_start3A_162 : memref<128xi32, #tpu.memory_space<vmem>>) semaphore(%arg15 : memref<!tpu.dma_semaphore, #tpu.memory_space<semaphore_mem>>)
    %dma_start3A_166 = arith.constant 1 : i32
    %dma_start3A_167 = arith.constant 0 : i32
    %dma_start3A_168 = tpu.memref_slice %arg9[%dma_start3A_166, %dma_start3A_167] : memref<2x128xi32, #tpu.memory_space<vmem>> -> memref<1x128xi32, #tpu.memory_space<vmem>>
    %dma_start3A_169 = tpu.memref_squeeze %dma_start3A_168 : memref<1x128xi32, #tpu.memory_space<vmem>> -> memref<128xi32, #tpu.memory_space<vmem>>
    %dma_start3A_170 = arith.constant 0 : i32
    %dma_start3A_171 = arith.constant 0 : i32
    %dma_start3A_172 = tpu.memref_slice %arg6[%dma_start3A_170, %dma_start3A_171] : memref<10240x128xf32, #tpu.memory_space<vmem_shared>> -> memref<10240x128xf32, #tpu.memory_space<vmem_shared>>
    tpu.enqueue_indirect_dma source(%arg10 : memref<128x128xf32, #tpu.memory_space<vmem>>) target(%dma_start3A_172 : memref<10240x128xf32, #tpu.memory_space<vmem_shared>>) offsets(%dma_start3A_169 : memref<128xi32, #tpu.memory_space<vmem>>) semaphore(%arg16 : memref<!tpu.dma_semaphore, #tpu.memory_space<semaphore_mem>>) {add = true}
    %add3A_173 = arith.constant 2400 : i32
    %add3A_174 = arith.addi %add3A, %add3A_173 : i32
    %mul3A_175 = arith.constant 128 : i32
    %mul3A_176 = arith.muli %add3A_174, %mul3A_175 : i32
    %multiple_of3A_177 = tpu.assume_multiple %mul3A_176, 128 : i32
    %dma_start3A_178 = arith.constant 0 : i32
    %dma_start3A_179 = tpu.memref_slice %arg3[%dma_start3A_178, %multiple_of3A_177] : memref<2x320000xi32, #tpu.memory_space<hbm>> -> memref<2x128xi32, #tpu.memory_space<hbm>>
    %dma_start3A_180 = arith.constant 0 : i32
    %dma_start3A_181 = tpu.memref_slice %arg3[%dma_start3A_180, %multiple_of3A_177] : memref<2x320000xi32, #tpu.memory_space<hbm>> -> memref<2x128xi32, #tpu.memory_space<hbm>>
    tpu.enqueue_dma source(%dma_start3A_181 : memref<2x128xi32, #tpu.memory_space<hbm>>) target(%arg7 : memref<2x128xi32, #tpu.memory_space<vmem>>) target_semaphore(%arg14 : memref<!tpu.dma_semaphore, #tpu.memory_space<semaphore_mem>>)
    %get3A_182 = arith.constant 1 : i32
    %get3A_183 = arith.index_cast %get3A_182 : i32 to index
    %get3A_184 = arith.constant 0 : index
    %get3A_185 = tpu.vector_load %arg9[%get3A_183, %get3A_184] {strides = array<i32>} : memref<2x128xi32, #tpu.memory_space<vmem>>, vector<16xi32>,
    tpu.vector_store_idx %arg13[%get3A_185], %broadcast_in_dim3A_3 {add = true} : memref<10240xf32, #tpu.memory_space<vmem>>[vector<16xi32>], vector<16xf32>,
    %get3A_186 = arith.constant 1 : i32
    %get3A_187 = arith.index_cast %get3A_186 : i32 to index
    %get3A_188 = arith.constant 16 : index
    %get3A_189 = tpu.vector_load %arg9[%get3A_187, %get3A_188] {strides = array<i32>} : memref<2x128xi32, #tpu.memory_space<vmem>>, vector<16xi32>,
    tpu.vector_store_idx %arg13[%get3A_189], %broadcast_in_dim3A_3 {add = true} : memref<10240xf32, #tpu.memory_space<vmem>>[vector<16xi32>], vector<16xf32>,
    %get3A_190 = arith.constant 1 : i32
    %get3A_191 = arith.index_cast %get3A_190 : i32 to index
    %get3A_192 = arith.constant 32 : index
    %get3A_193 = tpu.vector_load %arg9[%get3A_191, %get3A_192] {strides = array<i32>} : memref<2x128xi32, #tpu.memory_space<vmem>>, vector<16xi32>,
    tpu.vector_store_idx %arg13[%get3A_193], %broadcast_in_dim3A_3 {add = true} : memref<10240xf32, #tpu.memory_space<vmem>>[vector<16xi32>], vector<16xf32>,
    %get3A_194 = arith.constant 1 : i32
    %get3A_195 = arith.index_cast %get3A_194 : i32 to index
    %get3A_196 = arith.constant 48 : index
    %get3A_197 = tpu.vector_load %arg9[%get3A_195, %get3A_196] {strides = array<i32>} : memref<2x128xi32, #tpu.memory_space<vmem>>, vector<16xi32>,
    tpu.vector_store_idx %arg13[%get3A_197], %broadcast_in_dim3A_3 {add = true} : memref<10240xf32, #tpu.memory_space<vmem>>[vector<16xi32>], vector<16xf32>,
    %get3A_198 = arith.constant 1 : i32
    %get3A_199 = arith.index_cast %get3A_198 : i32 to index
    %get3A_200 = arith.constant 64 : index
    %get3A_201 = tpu.vector_load %arg9[%get3A_199, %get3A_200] {strides = array<i32>} : memref<2x128xi32, #tpu.memory_space<vmem>>, vector<16xi32>,
    tpu.vector_store_idx %arg13[%get3A_201], %broadcast_in_dim3A_3 {add = true} : memref<10240xf32, #tpu.memory_space<vmem>>[vector<16xi32>], vector<16xf32>,
    %get3A_202 = arith.constant 1 : i32
    %get3A_203 = arith.index_cast %get3A_202 : i32 to index
    %get3A_204 = arith.constant 80 : index
    %get3A_205 = tpu.vector_load %arg9[%get3A_203, %get3A_204] {strides = array<i32>} : memref<2x128xi32, #tpu.memory_space<vmem>>, vector<16xi32>,
    tpu.vector_store_idx %arg13[%get3A_205], %broadcast_in_dim3A_3 {add = true} : memref<10240xf32, #tpu.memory_space<vmem>>[vector<16xi32>], vector<16xf32>,
    %get3A_206 = arith.constant 1 : i32
    %get3A_207 = arith.index_cast %get3A_206 : i32 to index
    %get3A_208 = arith.constant 96 : index
    %get3A_209 = tpu.vector_load %arg9[%get3A_207, %get3A_208] {strides = array<i32>} : memref<2x128xi32, #tpu.memory_space<vmem>>, vector<16xi32>,
    tpu.vector_store_idx %arg13[%get3A_209], %broadcast_in_dim3A_3 {add = true} : memref<10240xf32, #tpu.memory_space<vmem>>[vector<16xi32>], vector<16xf32>,
    %get3A_210 = arith.constant 1 : i32
    %get3A_211 = arith.index_cast %get3A_210 : i32 to index
    %get3A_212 = arith.constant 112 : index
    %get3A_213 = tpu.vector_load %arg9[%get3A_211, %get3A_212] {strides = array<i32>} : memref<2x128xi32, #tpu.memory_space<vmem>>, vector<16xi32>,
    tpu.vector_store_idx %arg13[%get3A_213], %broadcast_in_dim3A_3 {add = true} : memref<10240xf32, #tpu.memory_space<vmem>>[vector<16xi32>], vector<16xf32>,
    %dma_wait3A_214 = arith.constant 0 : i32
    %dma_wait3A_215 = arith.constant 0 : i32
    %dma_wait3A_216 = tpu.memref_slice %arg2[%dma_wait3A_214, %dma_wait3A_215] : memref<10000x128xf32, #tpu.memory_space<hbm>> -> memref<128x128xf32, #tpu.memory_space<hbm>>
    %dma_wait3A_217 = arith.constant 0 : i32
    %dma_wait3A_218 = arith.constant 0 : i32
    %dma_wait3A_219 = tpu.memref_slice %arg2[%dma_wait3A_217, %dma_wait3A_218] : memref<10000x128xf32, #tpu.memory_space<hbm>> -> memref<128x128xf32, #tpu.memory_space<hbm>>
    tpu.wait_dma2 semaphore(%arg15 : memref<!tpu.dma_semaphore, #tpu.memory_space<semaphore_mem>>) src(%dma_wait3A_219 : memref<128x128xf32, #tpu.memory_space<hbm>>) dst(%arg8 : memref<128x128xf32, #tpu.memory_space<vmem>>)
    %dma_wait3A_220 = arith.constant 0 : i32
    %dma_wait3A_221 = arith.constant 0 : i32
    %dma_wait3A_222 = tpu.memref_slice %arg3[%dma_wait3A_220, %dma_wait3A_221] : memref<2x320000xi32, #tpu.memory_space<hbm>> -> memref<2x128xi32, #tpu.memory_space<hbm>>
    %dma_wait3A_223 = arith.constant 0 : i32
    %dma_wait3A_224 = arith.constant 0 : i32
    %dma_wait3A_225 = tpu.memref_slice %arg3[%dma_wait3A_223, %dma_wait3A_224] : memref<2x320000xi32, #tpu.memory_space<hbm>> -> memref<2x128xi32, #tpu.memory_space<hbm>>
    tpu.wait_dma2 semaphore(%arg14 : memref<!tpu.dma_semaphore, #tpu.memory_space<semaphore_mem>>) src(%dma_wait3A_225 : memref<2x128xi32, #tpu.memory_space<hbm>>) dst(%arg7 : memref<2x128xi32, #tpu.memory_space<vmem>>)
    %dma_wait3A_226 = arith.constant 1 : i32
    %dma_wait3A_227 = arith.constant 0 : i32
    %dma_wait3A_228 = tpu.memref_slice %arg9[%dma_wait3A_226, %dma_wait3A_227] : memref<2x128xi32, #tpu.memory_space<vmem>> -> memref<1x128xi32, #tpu.memory_space<vmem>>
    %dma_wait3A_229 = tpu.memref_squeeze %dma_wait3A_228 : memref<1x128xi32, #tpu.memory_space<vmem>> -> memref<128xi32, #tpu.memory_space<vmem>>
    %dma_wait3A_230 = arith.constant 0 : i32
    %dma_wait3A_231 = arith.constant 0 : i32
    %dma_wait3A_232 = tpu.memref_slice %arg6[%dma_wait3A_230, %dma_wait3A_231] : memref<10240x128xf32, #tpu.memory_space<vmem_shared>> -> memref<10240x128xf32, #tpu.memory_space<vmem_shared>>
    tpu.wait_indirect_dma semaphore(%arg16 : memref<!tpu.dma_semaphore, #tpu.memory_space<semaphore_mem>>) src(%arg10 : memref<128x128xf32, #tpu.memory_space<vmem>>) dst(%dma_wait3A_232 : memref<10240x128xf32, #tpu.memory_space<vmem_shared>>)
    %dma_start3A_233 = arith.constant 0 : i32
    %dma_start3A_234 = arith.constant 0 : i32
    %dma_start3A_235 = tpu.memref_slice %arg7[%dma_start3A_233, %dma_start3A_234] : memref<2x128xi32, #tpu.memory_space<vmem>> -> memref<1x128xi32, #tpu.memory_space<vmem>>
    %dma_start3A_236 = tpu.memref_squeeze %dma_start3A_235 : memref<1x128xi32, #tpu.memory_space<vmem>> -> memref<128xi32, #tpu.memory_space<vmem>>
    %dma_start3A_237 = arith.constant 0 : i32
    %dma_start3A_238 = arith.constant 0 : i32
    %dma_start3A_239 = tpu.memref_slice %arg2[%dma_start3A_237, %dma_start3A_238] : memref<10000x128xf32, #tpu.memory_space<hbm>> -> memref<10000x128xf32, #tpu.memory_space<hbm>>
    tpu.enqueue_indirect_dma source(%dma_start3A_239 : memref<10000x128xf32, #tpu.memory_space<hbm>>) target(%arg10 : memref<128x128xf32, #tpu.memory_space<vmem>>) offsets(%dma_start3A_236 : memref<128xi32, #tpu.memory_space<vmem>>) semaphore(%arg15 : memref<!tpu.dma_semaphore, #tpu.memory_space<semaphore_mem>>)
    %dma_start3A_240 = arith.constant 1 : i32
    %dma_start3A_241 = arith.constant 0 : i32
    %dma_start3A_242 = tpu.memref_slice %arg11[%dma_start3A_240, %dma_start3A_241] : memref<2x128xi32, #tpu.memory_space<vmem>> -> memref<1x128xi32, #tpu.memory_space<vmem>>
    %dma_start3A_243 = tpu.memref_squeeze %dma_start3A_242 : memref<1x128xi32, #tpu.memory_space<vmem>> -> memref<128xi32, #tpu.memory_space<vmem>>
    %dma_start3A_244 = arith.constant 0 : i32
    %dma_start3A_245 = arith.constant 0 : i32
    %dma_start3A_246 = tpu.memref_slice %arg6[%dma_start3A_244, %dma_start3A_245] : memref<10240x128xf32, #tpu.memory_space<vmem_shared>> -> memref<10240x128xf32, #tpu.memory_space<vmem_shared>>
    tpu.enqueue_indirect_dma source(%arg8 : memref<128x128xf32, #tpu.memory_space<vmem>>) target(%dma_start3A_246 : memref<10240x128xf32, #tpu.memory_space<vmem_shared>>) offsets(%dma_start3A_243 : memref<128xi32, #tpu.memory_space<vmem>>) semaphore(%arg16 : memref<!tpu.dma_semaphore, #tpu.memory_space<semaphore_mem>>) {add = true}
    %add3A_247 = arith.constant 2432 : i32
    %add3A_248 = arith.addi %add3A, %add3A_247 : i32
    %mul3A_249 = arith.constant 128 : i32
    %mul3A_250 = arith.muli %add3A_248, %mul3A_249 : i32
    %multiple_of3A_251 = tpu.assume_multiple %mul3A_250, 128 : i32
    %dma_start3A_252 = arith.constant 0 : i32
    %dma_start3A_253 = tpu.memref_slice %arg3[%dma_start3A_252, %multiple_of3A_251] : memref<2x320000xi32, #tpu.memory_space<hbm>> -> memref<2x128xi32, #tpu.memory_space<hbm>>
    %dma_start3A_254 = arith.constant 0 : i32
    %dma_start3A_255 = tpu.memref_slice %arg3[%dma_start3A_254, %multiple_of3A_251] : memref<2x320000xi32, #tpu.memory_space<hbm>> -> memref<2x128xi32, #tpu.memory_space<hbm>>
    tpu.enqueue_dma source(%dma_start3A_255 : memref<2x128xi32, #tpu.memory_space<hbm>>) target(%arg9 : memref<2x128xi32, #tpu.memory_space<vmem>>) target_semaphore(%arg14 : memref<!tpu.dma_semaphore, #tpu.memory_space<semaphore_mem>>)
    %get3A_256 = arith.constant 1 : i32
    %get3A_257 = arith.index_cast %get3A_256 : i32 to index
    %get3A_258 = arith.constant 0 : index
    %get3A_259 = tpu.vector_load %arg11[%get3A_257, %get3A_258] {strides = array<i32>} : memref<2x128xi32, #tpu.memory_space<vmem>>, vector<16xi32>,
    tpu.vector_store_idx %arg13[%get3A_259], %broadcast_in_dim3A_3 {add = true} : memref<10240xf32, #tpu.memory_space<vmem>>[vector<16xi32>], vector<16xf32>,
    %get3A_260 = arith.constant 1 : i32
    %get3A_261 = arith.index_cast %get3A_260 : i32 to index
    %get3A_262 = arith.constant 16 : index
    %get3A_263 = tpu.vector_load %arg11[%get3A_261, %get3A_262] {strides = array<i32>} : memref<2x128xi32, #tpu.memory_space<vmem>>, vector<16xi32>,
    tpu.vector_store_idx %arg13[%get3A_263], %broadcast_in_dim3A_3 {add = true} : memref<10240xf32, #tpu.memory_space<vmem>>[vector<16xi32>], vector<16xf32>,
    %get3A_264 = arith.constant 1 : i32
    %get3A_265 = arith.index_cast %get3A_264 : i32 to index
    %get3A_266 = arith.constant 32 : index
    %get3A_267 = tpu.vector_load %arg11[%get3A_265, %get3A_266] {strides = array<i32>} : memref<2x128xi32, #tpu.memory_space<vmem>>, vector<16xi32>,
    tpu.vector_store_idx %arg13[%get3A_267], %broadcast_in_dim3A_3 {add = true} : memref<10240xf32, #tpu.memory_space<vmem>>[vector<16xi32>], vector<16xf32>,
    %get3A_268 = arith.constant 1 : i32
    %get3A_269 = arith.index_cast %get3A_268 : i32 to index
    %get3A_270 = arith.constant 48 : index
    %get3A_271 = tpu.vector_load %arg11[%get3A_269, %get3A_270] {strides = array<i32>} : memref<2x128xi32, #tpu.memory_space<vmem>>, vector<16xi32>,
    tpu.vector_store_idx %arg13[%get3A_271], %broadcast_in_dim3A_3 {add = true} : memref<10240xf32, #tpu.memory_space<vmem>>[vector<16xi32>], vector<16xf32>,
    %get3A_272 = arith.constant 1 : i32
    %get3A_273 = arith.index_cast %get3A_272 : i32 to index
    %get3A_274 = arith.constant 64 : index
    %get3A_275 = tpu.vector_load %arg11[%get3A_273, %get3A_274] {strides = array<i32>} : memref<2x128xi32, #tpu.memory_space<vmem>>, vector<16xi32>,
    tpu.vector_store_idx %arg13[%get3A_275], %broadcast_in_dim3A_3 {add = true} : memref<10240xf32, #tpu.memory_space<vmem>>[vector<16xi32>], vector<16xf32>,
    %get3A_276 = arith.constant 1 : i32
    %get3A_277 = arith.index_cast %get3A_276 : i32 to index
    %get3A_278 = arith.constant 80 : index
    %get3A_279 = tpu.vector_load %arg11[%get3A_277, %get3A_278] {strides = array<i32>} : memref<2x128xi32, #tpu.memory_space<vmem>>, vector<16xi32>,
    tpu.vector_store_idx %arg13[%get3A_279], %broadcast_in_dim3A_3 {add = true} : memref<10240xf32, #tpu.memory_space<vmem>>[vector<16xi32>], vector<16xf32>,
    %get3A_280 = arith.constant 1 : i32
    %get3A_281 = arith.index_cast %get3A_280 : i32 to index
    %get3A_282 = arith.constant 96 : index
    %get3A_283 = tpu.vector_load %arg11[%get3A_281, %get3A_282] {strides = array<i32>} : memref<2x128xi32, #tpu.memory_space<vmem>>, vector<16xi32>,
    tpu.vector_store_idx %arg13[%get3A_283], %broadcast_in_dim3A_3 {add = true} : memref<10240xf32, #tpu.memory_space<vmem>>[vector<16xi32>], vector<16xf32>,
    %get3A_284 = arith.constant 1 : i32
    %get3A_285 = arith.index_cast %get3A_284 : i32 to index
    %get3A_286 = arith.constant 112 : index
    %get3A_287 = tpu.vector_load %arg11[%get3A_285, %get3A_286] {strides = array<i32>} : memref<2x128xi32, #tpu.memory_space<vmem>>, vector<16xi32>,
    tpu.vector_store_idx %arg13[%get3A_287], %broadcast_in_dim3A_3 {add = true} : memref<10240xf32, #tpu.memory_space<vmem>>[vector<16xi32>], vector<16xf32>,
    %dma_wait3A_288 = arith.constant 0 : i32
    %dma_wait3A_289 = arith.constant 0 : i32
    %dma_wait3A_290 = tpu.memref_slice %arg2[%dma_wait3A_288, %dma_wait3A_289] : memref<10000x128xf32, #tpu.memory_space<hbm>> -> memref<128x128xf32, #tpu.memory_space<hbm>>
    %dma_wait3A_291 = arith.constant 0 : i32
    %dma_wait3A_292 = arith.constant 0 : i32
    %dma_wait3A_293 = tpu.memref_slice %arg2[%dma_wait3A_291, %dma_wait3A_292] : memref<10000x128xf32, #tpu.memory_space<hbm>> -> memref<128x128xf32, #tpu.memory_space<hbm>>
    tpu.wait_dma2 semaphore(%arg15 : memref<!tpu.dma_semaphore, #tpu.memory_space<semaphore_mem>>) src(%dma_wait3A_293 : memref<128x128xf32, #tpu.memory_space<hbm>>) dst(%arg10 : memref<128x128xf32, #tpu.memory_space<vmem>>)
    %dma_wait3A_294 = arith.constant 0 : i32
    %dma_wait3A_295 = arith.constant 0 : i32
    %dma_wait3A_296 = tpu.memref_slice %arg3[%dma_wait3A_294, %dma_wait3A_295] : memref<2x320000xi32, #tpu.memory_space<hbm>> -> memref<2x128xi32, #tpu.memory_space<hbm>>
    %dma_wait3A_297 = arith.constant 0 : i32
    %dma_wait3A_298 = arith.constant 0 : i32
    %dma_wait3A_299 = tpu.memref_slice %arg3[%dma_wait3A_297, %dma_wait3A_298] : memref<2x320000xi32, #tpu.memory_space<hbm>> -> memref<2x128xi32, #tpu.memory_space<hbm>>
    tpu.wait_dma2 semaphore(%arg14 : memref<!tpu.dma_semaphore, #tpu.memory_space<semaphore_mem>>) src(%dma_wait3A_299 : memref<2x128xi32, #tpu.memory_space<hbm>>) dst(%arg9 : memref<2x128xi32, #tpu.memory_space<vmem>>)
    %dma_wait3A_300 = arith.constant 1 : i32
    %dma_wait3A_301 = arith.constant 0 : i32
    %dma_wait3A_302 = tpu.memref_slice %arg11[%dma_wait3A_300, %dma_wait3A_301] : memref<2x128xi32, #tpu.memory_space<vmem>> -> memref<1x128xi32, #tpu.memory_space<vmem>>
    %dma_wait3A_303 = tpu.memref_squeeze %dma_wait3A_302 : memref<1x128xi32, #tpu.memory_space<vmem>> -> memref<128xi32, #tpu.memory_space<vmem>>
    %dma_wait3A_304 = arith.constant 0 : i32
    %dma_wait3A_305 = arith.constant 0 : i32
    %dma_wait3A_306 = tpu.memref_slice %arg6[%dma_wait3A_304, %dma_wait3A_305] : memref<10240x128xf32, #tpu.memory_space<vmem_shared>> -> memref<10240x128xf32, #tpu.memory_space<vmem_shared>>
    tpu.wait_indirect_dma semaphore(%arg16 : memref<!tpu.dma_semaphore, #tpu.memory_space<semaphore_mem>>) src(%arg8 : memref<128x128xf32, #tpu.memory_space<vmem>>) dst(%dma_wait3A_306 : memref<10240x128xf32, #tpu.memory_space<vmem_shared>>)
    %dma_start3A_307 = arith.constant 0 : i32
    %dma_start3A_308 = arith.constant 0 : i32
    %dma_start3A_309 = tpu.memref_slice %arg9[%dma_start3A_307, %dma_start3A_308] : memref<2x128xi32, #tpu.memory_space<vmem>> -> memref<1x128xi32, #tpu.memory_space<vmem>>
    %dma_start3A_310 = tpu.memref_squeeze %dma_start3A_309 : memref<1x128xi32, #tpu.memory_space<vmem>> -> memref<128xi32, #tpu.memory_space<vmem>>
    %dma_start3A_311 = arith.constant 0 : i32
    %dma_start3A_312 = arith.constant 0 : i32
    %dma_start3A_313 = tpu.memref_slice %arg2[%dma_start3A_311, %dma_start3A_312] : memref<10000x128xf32, #tpu.memory_space<hbm>> -> memref<10000x128xf32, #tpu.memory_space<hbm>>
    tpu.enqueue_indirect_dma source(%dma_start3A_313 : memref<10000x128xf32, #tpu.memory_space<hbm>>) target(%arg8 : memref<128x128xf32, #tpu.memory_space<vmem>>) offsets(%dma_start3A_310 : memref<128xi32, #tpu.memory_space<vmem>>) semaphore(%arg15 : memref<!tpu.dma_semaphore, #tpu.memory_space<semaphore_mem>>)
    %dma_start3A_314 = arith.constant 1 : i32
    %dma_start3A_315 = arith.constant 0 : i32
    %dma_start3A_316 = tpu.memref_slice %arg7[%dma_start3A_314, %dma_start3A_315] : memref<2x128xi32, #tpu.memory_space<vmem>> -> memref<1x128xi32, #tpu.memory_space<vmem>>
    %dma_start3A_317 = tpu.memref_squeeze %dma_start3A_316 : memref<1x128xi32, #tpu.memory_space<vmem>> -> memref<128xi32, #tpu.memory_space<vmem>>
    %dma_start3A_318 = arith.constant 0 : i32
    %dma_start3A_319 = arith.constant 0 : i32
    %dma_start3A_320 = tpu.memref_slice %arg6[%dma_start3A_318, %dma_start3A_319] : memref<10240x128xf32, #tpu.memory_space<vmem_shared>> -> memref<10240x128xf32, #tpu.memory_space<vmem_shared>>
    tpu.enqueue_indirect_dma source(%arg10 : memref<128x128xf32, #tpu.memory_space<vmem>>) target(%dma_start3A_320 : memref<10240x128xf32, #tpu.memory_space<vmem_shared>>) offsets(%dma_start3A_317 : memref<128xi32, #tpu.memory_space<vmem>>) semaphore(%arg16 : memref<!tpu.dma_semaphore, #tpu.memory_space<semaphore_mem>>) {add = true}
    %add3A_321 = arith.constant 2464 : i32
    %add3A_322 = arith.addi %add3A, %add3A_321 : i32
    %mul3A_323 = arith.constant 128 : i32
    %mul3A_324 = arith.muli %add3A_322, %mul3A_323 : i32
    %multiple_of3A_325 = tpu.assume_multiple %mul3A_324, 128 : i32
    %dma_start3A_326 = arith.constant 0 : i32
    %dma_start3A_327 = tpu.memref_slice %arg3[%dma_start3A_326, %multiple_of3A_325] : memref<2x320000xi32, #tpu.memory_space<hbm>> -> memref<2x128xi32, #tpu.memory_space<hbm>>
    %dma_start3A_328 = arith.constant 0 : i32
    %dma_start3A_329 = tpu.memref_slice %arg3[%dma_start3A_328, %multiple_of3A_325] : memref<2x320000xi32, #tpu.memory_space<hbm>> -> memref<2x128xi32, #tpu.memory_space<hbm>>
    tpu.enqueue_dma source(%dma_start3A_329 : memref<2x128xi32, #tpu.memory_space<hbm>>) target(%arg11 : memref<2x128xi32, #tpu.memory_space<vmem>>) target_semaphore(%arg14 : memref<!tpu.dma_semaphore, #tpu.memory_space<semaphore_mem>>)
    %get3A_330 = arith.constant 1 : i32
    %get3A_331 = arith.index_cast %get3A_330 : i32 to index
    %get3A_332 = arith.constant 0 : index
    %get3A_333 = tpu.vector_load %arg7[%get3A_331, %get3A_332] {strides = array<i32>} : memref<2x128xi32, #tpu.memory_space<vmem>>, vector<16xi32>,
    tpu.vector_store_idx %arg13[%get3A_333], %broadcast_in_dim3A_3 {add = true} : memref<10240xf32, #tpu.memory_space<vmem>>[vector<16xi32>], vector<16xf32>,
    %get3A_334 = arith.constant 1 : i32
    %get3A_335 = arith.index_cast %get3A_334 : i32 to index
    %get3A_336 = arith.constant 16 : index
    %get3A_337 = tpu.vector_load %arg7[%get3A_335, %get3A_336] {strides = array<i32>} : memref<2x128xi32, #tpu.memory_space<vmem>>, vector<16xi32>,
    tpu.vector_store_idx %arg13[%get3A_337], %broadcast_in_dim3A_3 {add = true} : memref<10240xf32, #tpu.memory_space<vmem>>[vector<16xi32>], vector<16xf32>,
    %get3A_338 = arith.constant 1 : i32
    %get3A_339 = arith.index_cast %get3A_338 : i32 to index
    %get3A_340 = arith.constant 32 : index
    %get3A_341 = tpu.vector_load %arg7[%get3A_339, %get3A_340] {strides = array<i32>} : memref<2x128xi32, #tpu.memory_space<vmem>>, vector<16xi32>,
    tpu.vector_store_idx %arg13[%get3A_341], %broadcast_in_dim3A_3 {add = true} : memref<10240xf32, #tpu.memory_space<vmem>>[vector<16xi32>], vector<16xf32>,
    %get3A_342 = arith.constant 1 : i32
    %get3A_343 = arith.index_cast %get3A_342 : i32 to index
    %get3A_344 = arith.constant 48 : index
    %get3A_345 = tpu.vector_load %arg7[%get3A_343, %get3A_344] {strides = array<i32>} : memref<2x128xi32, #tpu.memory_space<vmem>>, vector<16xi32>,
    tpu.vector_store_idx %arg13[%get3A_345], %broadcast_in_dim3A_3 {add = true} : memref<10240xf32, #tpu.memory_space<vmem>>[vector<16xi32>], vector<16xf32>,
    %get3A_346 = arith.constant 1 : i32
    %get3A_347 = arith.index_cast %get3A_346 : i32 to index
    %get3A_348 = arith.constant 64 : index
    %get3A_349 = tpu.vector_load %arg7[%get3A_347, %get3A_348] {strides = array<i32>} : memref<2x128xi32, #tpu.memory_space<vmem>>, vector<16xi32>,
    tpu.vector_store_idx %arg13[%get3A_349], %broadcast_in_dim3A_3 {add = true} : memref<10240xf32, #tpu.memory_space<vmem>>[vector<16xi32>], vector<16xf32>,
    %get3A_350 = arith.constant 1 : i32
    %get3A_351 = arith.index_cast %get3A_350 : i32 to index
    %get3A_352 = arith.constant 80 : index
    %get3A_353 = tpu.vector_load %arg7[%get3A_351, %get3A_352] {strides = array<i32>} : memref<2x128xi32, #tpu.memory_space<vmem>>, vector<16xi32>,
    tpu.vector_store_idx %arg13[%get3A_353], %broadcast_in_dim3A_3 {add = true} : memref<10240xf32, #tpu.memory_space<vmem>>[vector<16xi32>], vector<16xf32>,
    %get3A_354 = arith.constant 1 : i32
    %get3A_355 = arith.index_cast %get3A_354 : i32 to index
    %get3A_356 = arith.constant 96 : index
    %get3A_357 = tpu.vector_load %arg7[%get3A_355, %get3A_356] {strides = array<i32>} : memref<2x128xi32, #tpu.memory_space<vmem>>, vector<16xi32>,
    tpu.vector_store_idx %arg13[%get3A_357], %broadcast_in_dim3A_3 {add = true} : memref<10240xf32, #tpu.memory_space<vmem>>[vector<16xi32>], vector<16xf32>,
    %get3A_358 = arith.constant 1 : i32
    %get3A_359 = arith.index_cast %get3A_358 : i32 to index
    %get3A_360 = arith.constant 112 : index
    %get3A_361 = tpu.vector_load %arg7[%get3A_359, %get3A_360] {strides = array<i32>} : memref<2x128xi32, #tpu.memory_space<vmem>>, vector<16xi32>,
    tpu.vector_store_idx %arg13[%get3A_361], %broadcast_in_dim3A_3 {add = true} : memref<10240xf32, #tpu.memory_space<vmem>>[vector<16xi32>], vector<16xf32>,
    %dma_wait3A_362 = arith.constant 0 : i32
    %dma_wait3A_363 = arith.constant 0 : i32
    %dma_wait3A_364 = tpu.memref_slice %arg2[%dma_wait3A_362, %dma_wait3A_363] : memref<10000x128xf32, #tpu.memory_space<hbm>> -> memref<128x128xf32, #tpu.memory_space<hbm>>
    %dma_wait3A_365 = arith.constant 0 : i32
    %dma_wait3A_366 = arith.constant 0 : i32
    %dma_wait3A_367 = tpu.memref_slice %arg2[%dma_wait3A_365, %dma_wait3A_366] : memref<10000x128xf32, #tpu.memory_space<hbm>> -> memref<128x128xf32, #tpu.memory_space<hbm>>
    tpu.wait_dma2 semaphore(%arg15 : memref<!tpu.dma_semaphore, #tpu.memory_space<semaphore_mem>>) src(%dma_wait3A_367 : memref<128x128xf32, #tpu.memory_space<hbm>>) dst(%arg8 : memref<128x128xf32, #tpu.memory_space<vmem>>)
    %dma_wait3A_368 = arith.constant 0 : i32
    %dma_wait3A_369 = arith.constant 0 : i32
    %dma_wait3A_370 = tpu.memref_slice %arg3[%dma_wait3A_368, %dma_wait3A_369] : memref<2x320000xi32, #tpu.memory_space<hbm>> -> memref<2x128xi32, #tpu.memory_space<hbm>>
    %dma_wait3A_371 = arith.constant 0 : i32
    %dma_wait3A_372 = arith.constant 0 : i32
    %dma_wait3A_373 = tpu.memref_slice %arg3[%dma_wait3A_371, %dma_wait3A_372] : memref<2x320000xi32, #tpu.memory_space<hbm>> -> memref<2x128xi32, #tpu.memory_space<hbm>>
    tpu.wait_dma2 semaphore(%arg14 : memref<!tpu.dma_semaphore, #tpu.memory_space<semaphore_mem>>) src(%dma_wait3A_373 : memref<2x128xi32, #tpu.memory_space<hbm>>) dst(%arg11 : memref<2x128xi32, #tpu.memory_space<vmem>>)
    %dma_wait3A_374 = arith.constant 1 : i32
    %dma_wait3A_375 = arith.constant 0 : i32
    %dma_wait3A_376 = tpu.memref_slice %arg7[%dma_wait3A_374, %dma_wait3A_375] : memref<2x128xi32, #tpu.memory_space<vmem>> -> memref<1x128xi32, #tpu.memory_space<vmem>>
    %dma_wait3A_377 = tpu.memref_squeeze %dma_wait3A_376 : memref<1x128xi32, #tpu.memory_space<vmem>> -> memref<128xi32, #tpu.memory_space<vmem>>
    %dma_wait3A_378 = arith.constant 0 : i32
    %dma_wait3A_379 = arith.constant 0 : i32
    %dma_wait3A_380 = tpu.memref_slice %arg6[%dma_wait3A_378, %dma_wait3A_379] : memref<10240x128xf32, #tpu.memory_space<vmem_shared>> -> memref<10240x128xf32, #tpu.memory_space<vmem_shared>>
    tpu.wait_indirect_dma semaphore(%arg16 : memref<!tpu.dma_semaphore, #tpu.memory_space<semaphore_mem>>) src(%arg10 : memref<128x128xf32, #tpu.memory_space<vmem>>) dst(%dma_wait3A_380 : memref<10240x128xf32, #tpu.memory_space<vmem_shared>>)
    %dma_start3A_381 = arith.constant 0 : i32
    %dma_start3A_382 = arith.constant 0 : i32
    %dma_start3A_383 = tpu.memref_slice %arg11[%dma_start3A_381, %dma_start3A_382] : memref<2x128xi32, #tpu.memory_space<vmem>> -> memref<1x128xi32, #tpu.memory_space<vmem>>
    %dma_start3A_384 = tpu.memref_squeeze %dma_start3A_383 : memref<1x128xi32, #tpu.memory_space<vmem>> -> memref<128xi32, #tpu.memory_space<vmem>>
    %dma_start3A_385 = arith.constant 0 : i32
    %dma_start3A_386 = arith.constant 0 : i32
    %dma_start3A_387 = tpu.memref_slice %arg2[%dma_start3A_385, %dma_start3A_386] : memref<10000x128xf32, #tpu.memory_space<hbm>> -> memref<10000x128xf32, #tpu.memory_space<hbm>>
    tpu.enqueue_indirect_dma source(%dma_start3A_387 : memref<10000x128xf32, #tpu.memory_space<hbm>>) target(%arg10 : memref<128x128xf32, #tpu.memory_space<vmem>>) offsets(%dma_start3A_384 : memref<128xi32, #tpu.memory_space<vmem>>) semaphore(%arg15 : memref<!tpu.dma_semaphore, #tpu.memory_space<semaphore_mem>>)
    %dma_start3A_388 = arith.constant 1 : i32
    %dma_start3A_389 = arith.constant 0 : i32
    %dma_start3A_390 = tpu.memref_slice %arg9[%dma_start3A_388, %dma_start3A_389] : memref<2x128xi32, #tpu.memory_space<vmem>> -> memref<1x128xi32, #tpu.memory_space<vmem>>
    %dma_start3A_391 = tpu.memref_squeeze %dma_start3A_390 : memref<1x128xi32, #tpu.memory_space<vmem>> -> memref<128xi32, #tpu.memory_space<vmem>>
    %dma_start3A_392 = arith.constant 0 : i32
    %dma_start3A_393 = arith.constant 0 : i32
    %dma_start3A_394 = tpu.memref_slice %arg6[%dma_start3A_392, %dma_start3A_393] : memref<10240x128xf32, #tpu.memory_space<vmem_shared>> -> memref<10240x128xf32, #tpu.memory_space<vmem_shared>>
    tpu.enqueue_indirect_dma source(%arg8 : memref<128x128xf32, #tpu.memory_space<vmem>>) target(%dma_start3A_394 : memref<10240x128xf32, #tpu.memory_space<vmem_shared>>) offsets(%dma_start3A_391 : memref<128xi32, #tpu.memory_space<vmem>>) semaphore(%arg16 : memref<!tpu.dma_semaphore, #tpu.memory_space<semaphore_mem>>) {add = true}
    %get3A_395 = arith.constant 1 : i32
    %get3A_396 = arith.index_cast %get3A_395 : i32 to index
    %get3A_397 = arith.constant 0 : index
    %get3A_398 = tpu.vector_load %arg9[%get3A_396, %get3A_397] {strides = array<i32>} : memref<2x128xi32, #tpu.memory_space<vmem>>, vector<16xi32>,
    tpu.vector_store_idx %arg13[%get3A_398], %broadcast_in_dim3A_3 {add = true} : memref<10240xf32, #tpu.memory_space<vmem>>[vector<16xi32>], vector<16xf32>,
    %get3A_399 = arith.constant 1 : i32
    %get3A_400 = arith.index_cast %get3A_399 : i32 to index
    %get3A_401 = arith.constant 16 : index
    %get3A_402 = tpu.vector_load %arg9[%get3A_400, %get3A_401] {strides = array<i32>} : memref<2x128xi32, #tpu.memory_space<vmem>>, vector<16xi32>,
    tpu.vector_store_idx %arg13[%get3A_402], %broadcast_in_dim3A_3 {add = true} : memref<10240xf32, #tpu.memory_space<vmem>>[vector<16xi32>], vector<16xf32>,
    %get3A_403 = arith.constant 1 : i32
    %get3A_404 = arith.index_cast %get3A_403 : i32 to index
    %get3A_405 = arith.constant 32 : index
    %get3A_406 = tpu.vector_load %arg9[%get3A_404, %get3A_405] {strides = array<i32>} : memref<2x128xi32, #tpu.memory_space<vmem>>, vector<16xi32>,
    tpu.vector_store_idx %arg13[%get3A_406], %broadcast_in_dim3A_3 {add = true} : memref<10240xf32, #tpu.memory_space<vmem>>[vector<16xi32>], vector<16xf32>,
    %get3A_407 = arith.constant 1 : i32
    %get3A_408 = arith.index_cast %get3A_407 : i32 to index
    %get3A_409 = arith.constant 48 : index
    %get3A_410 = tpu.vector_load %arg9[%get3A_408, %get3A_409] {strides = array<i32>} : memref<2x128xi32, #tpu.memory_space<vmem>>, vector<16xi32>,
    tpu.vector_store_idx %arg13[%get3A_410], %broadcast_in_dim3A_3 {add = true} : memref<10240xf32, #tpu.memory_space<vmem>>[vector<16xi32>], vector<16xf32>,
    %get3A_411 = arith.constant 1 : i32
    %get3A_412 = arith.index_cast %get3A_411 : i32 to index
    %get3A_413 = arith.constant 64 : index
    %get3A_414 = tpu.vector_load %arg9[%get3A_412, %get3A_413] {strides = array<i32>} : memref<2x128xi32, #tpu.memory_space<vmem>>, vector<16xi32>,
    tpu.vector_store_idx %arg13[%get3A_414], %broadcast_in_dim3A_3 {add = true} : memref<10240xf32, #tpu.memory_space<vmem>>[vector<16xi32>], vector<16xf32>,
    %get3A_415 = arith.constant 1 : i32
    %get3A_416 = arith.index_cast %get3A_415 : i32 to index
    %get3A_417 = arith.constant 80 : index
    %get3A_418 = tpu.vector_load %arg9[%get3A_416, %get3A_417] {strides = array<i32>} : memref<2x128xi32, #tpu.memory_space<vmem>>, vector<16xi32>,
    tpu.vector_store_idx %arg13[%get3A_418], %broadcast_in_dim3A_3 {add = true} : memref<10240xf32, #tpu.memory_space<vmem>>[vector<16xi32>], vector<16xf32>,
    %get3A_419 = arith.constant 1 : i32
    %get3A_420 = arith.index_cast %get3A_419 : i32 to index
    %get3A_421 = arith.constant 96 : index
    %get3A_422 = tpu.vector_load %arg9[%get3A_420, %get3A_421] {strides = array<i32>} : memref<2x128xi32, #tpu.memory_space<vmem>>, vector<16xi32>,
    tpu.vector_store_idx %arg13[%get3A_422], %broadcast_in_dim3A_3 {add = true} : memref<10240xf32, #tpu.memory_space<vmem>>[vector<16xi32>], vector<16xf32>,
    %get3A_423 = arith.constant 1 : i32
    %get3A_424 = arith.index_cast %get3A_423 : i32 to index
    %get3A_425 = arith.constant 112 : index
    %get3A_426 = tpu.vector_load %arg9[%get3A_424, %get3A_425] {strides = array<i32>} : memref<2x128xi32, #tpu.memory_space<vmem>>, vector<16xi32>,
    tpu.vector_store_idx %arg13[%get3A_426], %broadcast_in_dim3A_3 {add = true} : memref<10240xf32, #tpu.memory_space<vmem>>[vector<16xi32>], vector<16xf32>,
    %dma_wait3A_427 = arith.constant 0 : i32
    %dma_wait3A_428 = arith.constant 0 : i32
    %dma_wait3A_429 = tpu.memref_slice %arg2[%dma_wait3A_427, %dma_wait3A_428] : memref<10000x128xf32, #tpu.memory_space<hbm>> -> memref<128x128xf32, #tpu.memory_space<hbm>>
    %dma_wait3A_430 = arith.constant 0 : i32
    %dma_wait3A_431 = arith.constant 0 : i32
    %dma_wait3A_432 = tpu.memref_slice %arg2[%dma_wait3A_430, %dma_wait3A_431] : memref<10000x128xf32, #tpu.memory_space<hbm>> -> memref<128x128xf32, #tpu.memory_space<hbm>>
    tpu.wait_dma2 semaphore(%arg15 : memref<!tpu.dma_semaphore, #tpu.memory_space<semaphore_mem>>) src(%dma_wait3A_432 : memref<128x128xf32, #tpu.memory_space<hbm>>) dst(%arg10 : memref<128x128xf32, #tpu.memory_space<vmem>>)
    %dma_wait3A_433 = arith.constant 1 : i32
    %dma_wait3A_434 = arith.constant 0 : i32
    %dma_wait3A_435 = tpu.memref_slice %arg9[%dma_wait3A_433, %dma_wait3A_434] : memref<2x128xi32, #tpu.memory_space<vmem>> -> memref<1x128xi32, #tpu.memory_space<vmem>>
    %dma_wait3A_436 = tpu.memref_squeeze %dma_wait3A_435 : memref<1x128xi32, #tpu.memory_space<vmem>> -> memref<128xi32, #tpu.memory_space<vmem>>
    %dma_wait3A_437 = arith.constant 0 : i32
    %dma_wait3A_438 = arith.constant 0 : i32
    %dma_wait3A_439 = tpu.memref_slice %arg6[%dma_wait3A_437, %dma_wait3A_438] : memref<10240x128xf32, #tpu.memory_space<vmem_shared>> -> memref<10240x128xf32, #tpu.memory_space<vmem_shared>>
    tpu.wait_indirect_dma semaphore(%arg16 : memref<!tpu.dma_semaphore, #tpu.memory_space<semaphore_mem>>) src(%arg8 : memref<128x128xf32, #tpu.memory_space<vmem>>) dst(%dma_wait3A_439 : memref<10240x128xf32, #tpu.memory_space<vmem_shared>>)
    %dma_start3A_440 = arith.constant 1 : i32
    %dma_start3A_441 = arith.constant 0 : i32
    %dma_start3A_442 = tpu.memref_slice %arg11[%dma_start3A_440, %dma_start3A_441] : memref<2x128xi32, #tpu.memory_space<vmem>> -> memref<1x128xi32, #tpu.memory_space<vmem>>
    %dma_start3A_443 = tpu.memref_squeeze %dma_start3A_442 : memref<1x128xi32, #tpu.memory_space<vmem>> -> memref<128xi32, #tpu.memory_space<vmem>>
    %dma_start3A_444 = arith.constant 0 : i32
    %dma_start3A_445 = arith.constant 0 : i32
    %dma_start3A_446 = tpu.memref_slice %arg6[%dma_start3A_444, %dma_start3A_445] : memref<10240x128xf32, #tpu.memory_space<vmem_shared>> -> memref<10240x128xf32, #tpu.memory_space<vmem_shared>>
    tpu.enqueue_indirect_dma source(%arg10 : memref<128x128xf32, #tpu.memory_space<vmem>>) target(%dma_start3A_446 : memref<10240x128xf32, #tpu.memory_space<vmem_shared>>) offsets(%dma_start3A_443 : memref<128xi32, #tpu.memory_space<vmem>>) semaphore(%arg16 : memref<!tpu.dma_semaphore, #tpu.memory_space<semaphore_mem>>) {add = true}
    %get3A_447 = arith.constant 1 : i32
    %get3A_448 = arith.index_cast %get3A_447 : i32 to index
    %get3A_449 = arith.constant 0 : index
    %get3A_450 = tpu.vector_load %arg11[%get3A_448, %get3A_449] {strides = array<i32>} : memref<2x128xi32, #tpu.memory_space<vmem>>, vector<16xi32>,
    tpu.vector_store_idx %arg13[%get3A_450], %broadcast_in_dim3A_3 {add = true} : memref<10240xf32, #tpu.memory_space<vmem>>[vector<16xi32>], vector<16xf32>,
    %get3A_451 = arith.constant 1 : i32
    %get3A_452 = arith.index_cast %get3A_451 : i32 to index
    %get3A_453 = arith.constant 16 : index
    %get3A_454 = tpu.vector_load %arg11[%get3A_452, %get3A_453] {strides = array<i32>} : memref<2x128xi32, #tpu.memory_space<vmem>>, vector<16xi32>,
    tpu.vector_store_idx %arg13[%get3A_454], %broadcast_in_dim3A_3 {add = true} : memref<10240xf32, #tpu.memory_space<vmem>>[vector<16xi32>], vector<16xf32>,
    %get3A_455 = arith.constant 1 : i32
    %get3A_456 = arith.index_cast %get3A_455 : i32 to index
    %get3A_457 = arith.constant 32 : index
    %get3A_458 = tpu.vector_load %arg11[%get3A_456, %get3A_457] {strides = array<i32>} : memref<2x128xi32, #tpu.memory_space<vmem>>, vector<16xi32>,
    tpu.vector_store_idx %arg13[%get3A_458], %broadcast_in_dim3A_3 {add = true} : memref<10240xf32, #tpu.memory_space<vmem>>[vector<16xi32>], vector<16xf32>,
    %get3A_459 = arith.constant 1 : i32
    %get3A_460 = arith.index_cast %get3A_459 : i32 to index
    %get3A_461 = arith.constant 48 : index
    %get3A_462 = tpu.vector_load %arg11[%get3A_460, %get3A_461] {strides = array<i32>} : memref<2x128xi32, #tpu.memory_space<vmem>>, vector<16xi32>,
    tpu.vector_store_idx %arg13[%get3A_462], %broadcast_in_dim3A_3 {add = true} : memref<10240xf32, #tpu.memory_space<vmem>>[vector<16xi32>], vector<16xf32>,
    %get3A_463 = arith.constant 1 : i32
    %get3A_464 = arith.index_cast %get3A_463 : i32 to index
    %get3A_465 = arith.constant 64 : index
    %get3A_466 = tpu.vector_load %arg11[%get3A_464, %get3A_465] {strides = array<i32>} : memref<2x128xi32, #tpu.memory_space<vmem>>, vector<16xi32>,
    tpu.vector_store_idx %arg13[%get3A_466], %broadcast_in_dim3A_3 {add = true} : memref<10240xf32, #tpu.memory_space<vmem>>[vector<16xi32>], vector<16xf32>,
    %get3A_467 = arith.constant 1 : i32
    %get3A_468 = arith.index_cast %get3A_467 : i32 to index
    %get3A_469 = arith.constant 80 : index
    %get3A_470 = tpu.vector_load %arg11[%get3A_468, %get3A_469] {strides = array<i32>} : memref<2x128xi32, #tpu.memory_space<vmem>>, vector<16xi32>,
    tpu.vector_store_idx %arg13[%get3A_470], %broadcast_in_dim3A_3 {add = true} : memref<10240xf32, #tpu.memory_space<vmem>>[vector<16xi32>], vector<16xf32>,
    %get3A_471 = arith.constant 1 : i32
    %get3A_472 = arith.index_cast %get3A_471 : i32 to index
    %get3A_473 = arith.constant 96 : index
    %get3A_474 = tpu.vector_load %arg11[%get3A_472, %get3A_473] {strides = array<i32>} : memref<2x128xi32, #tpu.memory_space<vmem>>, vector<16xi32>,
    tpu.vector_store_idx %arg13[%get3A_474], %broadcast_in_dim3A_3 {add = true} : memref<10240xf32, #tpu.memory_space<vmem>>[vector<16xi32>], vector<16xf32>,
    %get3A_475 = arith.constant 1 : i32
    %get3A_476 = arith.index_cast %get3A_475 : i32 to index
    %get3A_477 = arith.constant 112 : index
    %get3A_478 = tpu.vector_load %arg11[%get3A_476, %get3A_477] {strides = array<i32>} : memref<2x128xi32, #tpu.memory_space<vmem>>, vector<16xi32>,
    tpu.vector_store_idx %arg13[%get3A_478], %broadcast_in_dim3A_3 {add = true} : memref<10240xf32, #tpu.memory_space<vmem>>[vector<16xi32>], vector<16xf32>,
    %dma_wait3A_479 = arith.constant 1 : i32
    %dma_wait3A_480 = arith.constant 0 : i32
    %dma_wait3A_481 = tpu.memref_slice %arg11[%dma_wait3A_479, %dma_wait3A_480] : memref<2x128xi32, #tpu.memory_space<vmem>> -> memref<1x128xi32, #tpu.memory_space<vmem>>
    %dma_wait3A_482 = tpu.memref_squeeze %dma_wait3A_481 : memref<1x128xi32, #tpu.memory_space<vmem>> -> memref<128xi32, #tpu.memory_space<vmem>>
    %dma_wait3A_483 = arith.constant 0 : i32
    %dma_wait3A_484 = arith.constant 0 : i32
    %dma_wait3A_485 = tpu.memref_slice %arg6[%dma_wait3A_483, %dma_wait3A_484] : memref<10240x128xf32, #tpu.memory_space<vmem_shared>> -> memref<10240x128xf32, #tpu.memory_space<vmem_shared>>
    tpu.wait_indirect_dma semaphore(%arg16 : memref<!tpu.dma_semaphore, #tpu.memory_space<semaphore_mem>>) src(%arg10 : memref<128x128xf32, #tpu.memory_space<vmem>>) dst(%dma_wait3A_485 : memref<10240x128xf32, #tpu.memory_space<vmem_shared>>)
    %lt3A = arith.constant 4 : i32
    %lt3A_486 = arith.cmpi slt, %add3A, %lt3A : i32
    %convert_element_type3A = arith.extui %lt3A_486 : i1 to i32
    %cond3A = arith.constant 0 : i32
    %cond3A_487 = arith.cmpi ne, %convert_element_type3A, %cond3A : i32
    scf.if %cond3A_487 {
      %add3A_495 = arith.constant 2496 : i32
      %add3A_496 = arith.addi %add3A_495, %add3A : i32
      %mul3A_497 = arith.constant 128 : i32
      %mul3A_498 = arith.muli %add3A_496, %mul3A_497 : i32
      %multiple_of3A_499 = tpu.assume_multiple %mul3A_498, 128 : i32
      "tpu.region"() ({
        %run_scoped3A_546 = tpu.sem_alloc : memref<!tpu.dma_semaphore, #tpu.memory_space<semaphore_mem>>
        %dma_start3A_547 = arith.constant 0 : i32
        %dma_start3A_548 = tpu.memref_slice %arg3[%dma_start3A_547, %multiple_of3A_499] : memref<2x320000xi32, #tpu.memory_space<hbm>> -> memref<2x128xi32, #tpu.memory_space<hbm>>
        %dma_start3A_549 = arith.constant 0 : i32
        %dma_start3A_550 = tpu.memref_slice %arg3[%dma_start3A_549, %multiple_of3A_499] : memref<2x320000xi32, #tpu.memory_space<hbm>> -> memref<2x128xi32, #tpu.memory_space<hbm>>
        tpu.enqueue_dma source(%dma_start3A_550 : memref<2x128xi32, #tpu.memory_space<hbm>>) target(%arg12 : memref<2x128xi32, #tpu.memory_space<vmem>>) target_semaphore(%run_scoped3A_546 : memref<!tpu.dma_semaphore, #tpu.memory_space<semaphore_mem>>)
        %dma_wait3A_551 = arith.constant 0 : i32
        %dma_wait3A_552 = tpu.memref_slice %arg3[%dma_wait3A_551, %multiple_of3A_499] : memref<2x320000xi32, #tpu.memory_space<hbm>> -> memref<2x128xi32, #tpu.memory_space<hbm>>
        %dma_wait3A_553 = arith.constant 0 : i32
        %dma_wait3A_554 = tpu.memref_slice %arg3[%dma_wait3A_553, %multiple_of3A_499] : memref<2x320000xi32, #tpu.memory_space<hbm>> -> memref<2x128xi32, #tpu.memory_space<hbm>>
        tpu.wait_dma2 semaphore(%run_scoped3A_546 : memref<!tpu.dma_semaphore, #tpu.memory_space<semaphore_mem>>) src(%dma_wait3A_554 : memref<2x128xi32, #tpu.memory_space<hbm>>) dst(%arg12 : memref<2x128xi32, #tpu.memory_space<vmem>>)
        tpu.yield
      }) : () -> ()
      %dma_start3A_500 = arith.constant 0 : i32
      %dma_start3A_501 = arith.constant 0 : i32
      %dma_start3A_502 = tpu.memref_slice %arg12[%dma_start3A_500, %dma_start3A_501] : memref<2x128xi32, #tpu.memory_space<vmem>> -> memref<1x128xi32, #tpu.memory_space<vmem>>
      %dma_start3A_503 = tpu.memref_squeeze %dma_start3A_502 : memref<1x128xi32, #tpu.memory_space<vmem>> -> memref<128xi32, #tpu.memory_space<vmem>>
      %dma_start3A_504 = arith.constant 0 : i32
      %dma_start3A_505 = arith.constant 0 : i32
      %dma_start3A_506 = tpu.memref_slice %arg2[%dma_start3A_504, %dma_start3A_505] : memref<10000x128xf32, #tpu.memory_space<hbm>> -> memref<10000x128xf32, #tpu.memory_space<hbm>>
      tpu.enqueue_indirect_dma source(%dma_start3A_506 : memref<10000x128xf32, #tpu.memory_space<hbm>>) target(%arg8 : memref<128x128xf32, #tpu.memory_space<vmem>>) offsets(%dma_start3A_503 : memref<128xi32, #tpu.memory_space<vmem>>) semaphore(%arg15 : memref<!tpu.dma_semaphore, #tpu.memory_space<semaphore_mem>>)
      %dma_wait3A_507 = arith.constant 0 : i32
      %dma_wait3A_508 = arith.constant 0 : i32
      %dma_wait3A_509 = tpu.memref_slice %arg12[%dma_wait3A_507, %dma_wait3A_508] : memref<2x128xi32, #tpu.memory_space<vmem>> -> memref<1x128xi32, #tpu.memory_space<vmem>>
      %dma_wait3A_510 = tpu.memref_squeeze %dma_wait3A_509 : memref<1x128xi32, #tpu.memory_space<vmem>> -> memref<128xi32, #tpu.memory_space<vmem>>
      %dma_wait3A_511 = arith.constant 0 : i32
      %dma_wait3A_512 = arith.constant 0 : i32
      %dma_wait3A_513 = tpu.memref_slice %arg2[%dma_wait3A_511, %dma_wait3A_512] : memref<10000x128xf32, #tpu.memory_space<hbm>> -> memref<10000x128xf32, #tpu.memory_space<hbm>>
      tpu.wait_indirect_dma semaphore(%arg15 : memref<!tpu.dma_semaphore, #tpu.memory_space<semaphore_mem>>) src(%dma_wait3A_513 : memref<10000x128xf32, #tpu.memory_space<hbm>>) dst(%arg8 : memref<128x128xf32, #tpu.memory_space<vmem>>)
      %run_scoped3A = arith.constant 1 : i32
      "tpu.region"() ({
        %run_scoped3A_546 = tpu.sem_alloc : memref<!tpu.dma_semaphore, #tpu.memory_space<semaphore_mem>>
        %dma_start3A_547 = arith.constant 0 : i32
        %dma_start3A_548 = tpu.memref_slice %arg12[%run_scoped3A, %dma_start3A_547] : memref<2x128xi32, #tpu.memory_space<vmem>> -> memref<1x128xi32, #tpu.memory_space<vmem>>
        %dma_start3A_549 = tpu.memref_squeeze %dma_start3A_548 : memref<1x128xi32, #tpu.memory_space<vmem>> -> memref<128xi32, #tpu.memory_space<vmem>>
        %dma_start3A_550 = arith.constant 0 : i32
        %dma_start3A_551 = arith.constant 0 : i32
        %dma_start3A_552 = tpu.memref_slice %arg6[%dma_start3A_550, %dma_start3A_551] : memref<10240x128xf32, #tpu.memory_space<vmem_shared>> -> memref<10240x128xf32, #tpu.memory_space<vmem_shared>>
        tpu.enqueue_indirect_dma source(%arg8 : memref<128x128xf32, #tpu.memory_space<vmem>>) target(%dma_start3A_552 : memref<10240x128xf32, #tpu.memory_space<vmem_shared>>) offsets(%dma_start3A_549 : memref<128xi32, #tpu.memory_space<vmem>>) semaphore(%run_scoped3A_546 : memref<!tpu.dma_semaphore, #tpu.memory_space<semaphore_mem>>) {add = true}
        %dma_wait3A_553 = arith.constant 0 : i32
        %dma_wait3A_554 = tpu.memref_slice %arg12[%run_scoped3A, %dma_wait3A_553] : memref<2x128xi32, #tpu.memory_space<vmem>> -> memref<1x128xi32, #tpu.memory_space<vmem>>
        %dma_wait3A_555 = tpu.memref_squeeze %dma_wait3A_554 : memref<1x128xi32, #tpu.memory_space<vmem>> -> memref<128xi32, #tpu.memory_space<vmem>>
        %dma_wait3A_556 = arith.constant 0 : i32
        %dma_wait3A_557 = arith.constant 0 : i32
        %dma_wait3A_558 = tpu.memref_slice %arg6[%dma_wait3A_556, %dma_wait3A_557] : memref<10240x128xf32, #tpu.memory_space<vmem_shared>> -> memref<10240x128xf32, #tpu.memory_space<vmem_shared>>
        tpu.wait_indirect_dma semaphore(%run_scoped3A_546 : memref<!tpu.dma_semaphore, #tpu.memory_space<semaphore_mem>>) src(%arg8 : memref<128x128xf32, #tpu.memory_space<vmem>>) dst(%dma_wait3A_558 : memref<10240x128xf32, #tpu.memory_space<vmem_shared>>)
        tpu.yield
      }) : () -> ()
      %get3A_514 = arith.constant 1 : i32
      %get3A_515 = arith.index_cast %get3A_514 : i32 to index
      %get3A_516 = arith.constant 0 : index
      %get3A_517 = tpu.vector_load %arg12[%get3A_515, %get3A_516] {strides = array<i32>} : memref<2x128xi32, #tpu.memory_space<vmem>>, vector<16xi32>,
      tpu.vector_store_idx %arg13[%get3A_517], %broadcast_in_dim3A_3 {add = true} : memref<10240xf32, #tpu.memory_space<vmem>>[vector<16xi32>], vector<16xf32>,
      %get3A_518 = arith.constant 1 : i32
      %get3A_519 = arith.index_cast %get3A_518 : i32 to index
      %get3A_520 = arith.constant 16 : index
      %get3A_521 = tpu.vector_load %arg12[%get3A_519, %get3A_520] {strides = array<i32>} : memref<2x128xi32, #tpu.memory_space<vmem>>, vector<16xi32>,
      tpu.vector_store_idx %arg13[%get3A_521], %broadcast_in_dim3A_3 {add = true} : memref<10240xf32, #tpu.memory_space<vmem>>[vector<16xi32>], vector<16xf32>,
      %get3A_522 = arith.constant 1 : i32
      %get3A_523 = arith.index_cast %get3A_522 : i32 to index
      %get3A_524 = arith.constant 32 : index
      %get3A_525 = tpu.vector_load %arg12[%get3A_523, %get3A_524] {strides = array<i32>} : memref<2x128xi32, #tpu.memory_space<vmem>>, vector<16xi32>,
      tpu.vector_store_idx %arg13[%get3A_525], %broadcast_in_dim3A_3 {add = true} : memref<10240xf32, #tpu.memory_space<vmem>>[vector<16xi32>], vector<16xf32>,
      %get3A_526 = arith.constant 1 : i32
      %get3A_527 = arith.index_cast %get3A_526 : i32 to index
      %get3A_528 = arith.constant 48 : index
      %get3A_529 = tpu.vector_load %arg12[%get3A_527, %get3A_528] {strides = array<i32>} : memref<2x128xi32, #tpu.memory_space<vmem>>, vector<16xi32>,
      tpu.vector_store_idx %arg13[%get3A_529], %broadcast_in_dim3A_3 {add = true} : memref<10240xf32, #tpu.memory_space<vmem>>[vector<16xi32>], vector<16xf32>,
      %get3A_530 = arith.constant 1 : i32
      %get3A_531 = arith.index_cast %get3A_530 : i32 to index
      %get3A_532 = arith.constant 64 : index
      %get3A_533 = tpu.vector_load %arg12[%get3A_531, %get3A_532] {strides = array<i32>} : memref<2x128xi32, #tpu.memory_space<vmem>>, vector<16xi32>,
      tpu.vector_store_idx %arg13[%get3A_533], %broadcast_in_dim3A_3 {add = true} : memref<10240xf32, #tpu.memory_space<vmem>>[vector<16xi32>], vector<16xf32>,
      %get3A_534 = arith.constant 1 : i32
      %get3A_535 = arith.index_cast %get3A_534 : i32 to index
      %get3A_536 = arith.constant 80 : index
      %get3A_537 = tpu.vector_load %arg12[%get3A_535, %get3A_536] {strides = array<i32>} : memref<2x128xi32, #tpu.memory_space<vmem>>, vector<16xi32>,
      tpu.vector_store_idx %arg13[%get3A_537], %broadcast_in_dim3A_3 {add = true} : memref<10240xf32, #tpu.memory_space<vmem>>[vector<16xi32>], vector<16xf32>,
      %get3A_538 = arith.constant 1 : i32
      %get3A_539 = arith.index_cast %get3A_538 : i32 to index
      %get3A_540 = arith.constant 96 : index
      %get3A_541 = tpu.vector_load %arg12[%get3A_539, %get3A_540] {strides = array<i32>} : memref<2x128xi32, #tpu.memory_space<vmem>>, vector<16xi32>,
      tpu.vector_store_idx %arg13[%get3A_541], %broadcast_in_dim3A_3 {add = true} : memref<10240xf32, #tpu.memory_space<vmem>>[vector<16xi32>], vector<16xf32>,
      %get3A_542 = arith.constant 1 : i32
      %get3A_543 = arith.index_cast %get3A_542 : i32 to index
      %get3A_544 = arith.constant 112 : index
      %get3A_545 = tpu.vector_load %arg12[%get3A_543, %get3A_544] {strides = array<i32>} : memref<2x128xi32, #tpu.memory_space<vmem>>, vector<16xi32>,
      tpu.vector_store_idx %arg13[%get3A_545], %broadcast_in_dim3A_3 {add = true} : memref<10240xf32, #tpu.memory_space<vmem>>[vector<16xi32>], vector<16xf32>,
    } else {
    }
    %mul3A_488 = arith.constant 10240 : i32
    %mul3A_489 = arith.muli %add3A, %mul3A_488 : i32
    %multiple_of3A_490 = tpu.assume_multiple %mul3A_489, 8 : i32
    "tpu.region"() ({
      %run_scoped3A = tpu.sem_alloc : memref<!tpu.dma_semaphore, #tpu.memory_space<semaphore_mem>>
      %dma_start3A_495 = tpu.memref_slice %arg5[%multiple_of3A_490] : memref<327680xf32, #tpu.memory_space<hbm>> -> memref<10240xf32, #tpu.memory_space<hbm>>
      %dma_start3A_496 = tpu.memref_slice %arg5[%multiple_of3A_490] : memref<327680xf32, #tpu.memory_space<hbm>> -> memref<10240xf32, #tpu.memory_space<hbm>>
      tpu.enqueue_dma source(%arg13 : memref<10240xf32, #tpu.memory_space<vmem>>) target(%dma_start3A_496 : memref<10240xf32, #tpu.memory_space<hbm>>) target_semaphore(%run_scoped3A : memref<!tpu.dma_semaphore, #tpu.memory_space<semaphore_mem>>)
      %dma_wait3A_497 = tpu.memref_slice %arg5[%multiple_of3A_490] : memref<327680xf32, #tpu.memory_space<hbm>> -> memref<10240xf32, #tpu.memory_space<hbm>>
      %dma_wait3A_498 = tpu.memref_slice %arg5[%multiple_of3A_490] : memref<327680xf32, #tpu.memory_space<hbm>> -> memref<10240xf32, #tpu.memory_space<hbm>>
      tpu.wait_dma2 semaphore(%run_scoped3A : memref<!tpu.dma_semaphore, #tpu.memory_space<semaphore_mem>>) src(%arg13 : memref<10240xf32, #tpu.memory_space<vmem>>) dst(%dma_wait3A_498 : memref<10240xf32, #tpu.memory_space<hbm>>)
      tpu.yield
    }) : () -> ()
    %barrier3A_491 = arith.constant 0 : index
    tpu.barrier barrier_id(%barrier3A_491)
    %mul3A_492 = arith.constant 640 : i32
    %mul3A_493 = arith.muli %arg1, %mul3A_492 : i32
    %multiple_of3A_494 = tpu.assume_multiple %mul3A_493, 8 : i32
    "tpu.region"() ({
      %run_scoped3A = tpu.sem_alloc : memref<!tpu.dma_semaphore, #tpu.memory_space<semaphore_mem>>
      %dma_start3A_495 = arith.constant 0 : i32
      %dma_start3A_496 = tpu.memref_slice %arg4[%arg0, %multiple_of3A_494, %dma_start3A_495] : memref<2x10240x128xf32, #tpu.memory_space<hbm>> -> memref<1x640x128xf32, #tpu.memory_space<hbm>>
      %dma_start3A_497 = tpu.memref_squeeze %dma_start3A_496 : memref<1x640x128xf32, #tpu.memory_space<hbm>> -> memref<640x128xf32, #tpu.memory_space<hbm>>
      %dma_start3A_498 = arith.constant 0 : i32
      %dma_start3A_499 = tpu.memref_slice %arg6[%multiple_of3A_494, %dma_start3A_498] : memref<10240x128xf32, #tpu.memory_space<vmem_shared>> -> memref<640x128xf32, #tpu.memory_space<vmem_shared>>
      tpu.enqueue_dma source(%dma_start3A_499 : memref<640x128xf32, #tpu.memory_space<vmem_shared>>) target(%dma_start3A_497 : memref<640x128xf32, #tpu.memory_space<hbm>>) target_semaphore(%run_scoped3A : memref<!tpu.dma_semaphore, #tpu.memory_space<semaphore_mem>>)
      %dma_wait3A_500 = arith.constant 0 : i32
      %dma_wait3A_501 = tpu.memref_slice %arg4[%arg0, %multiple_of3A_494, %dma_wait3A_500] : memref<2x10240x128xf32, #tpu.memory_space<hbm>> -> memref<1x640x128xf32, #tpu.memory_space<hbm>>
      %dma_wait3A_502 = tpu.memref_squeeze %dma_wait3A_501 : memref<1x640x128xf32, #tpu.memory_space<hbm>> -> memref<640x128xf32, #tpu.memory_space<hbm>>
      %dma_wait3A_503 = arith.constant 0 : i32
      %dma_wait3A_504 = tpu.memref_slice %arg6[%multiple_of3A_494, %dma_wait3A_503] : memref<10240x128xf32, #tpu.memory_space<vmem_shared>> -> memref<640x128xf32, #tpu.memory_space<vmem_shared>>
      tpu.wait_dma2 semaphore(%run_scoped3A : memref<!tpu.dma_semaphore, #tpu.memory_space<semaphore_mem>>) src(%dma_wait3A_504 : memref<640x128xf32, #tpu.memory_space<vmem_shared>>) dst(%dma_wait3A_502 : memref<640x128xf32, #tpu.memory_space<hbm>>)
      tpu.yield
    }) : () -> ()
    return
  }
}

module attributes {stable_mosaic.version = 14 : i64} {
  func.func @_tc_body(%arg0: i32, %arg1: memref<2048x128xf32, #tpu.memory_space<vmem>>, %arg2: memref<2x2048x128xf32, #tpu.memory_space<vmem>>, %arg3: memref<32x2048xf32, #tpu.memory_space<vmem>>, %arg4: memref<128x128xf32, #tpu.memory_space<vmem>>, %arg5: memref<128x128xf32, #tpu.memory_space<vmem>>, %arg6: memref<1x128xf32, #tpu.memory_space<vmem>>, %arg7: memref<1x128xf32, #tpu.memory_space<vmem>>, %arg8: memref<2048x128xf32, #tpu.memory_space<vmem>>) attributes {dimension_semantics = [#tpu.dimension_semantics<arbitrary>], iteration_bounds = array<i64: 5>, scalar_prefetch = 0 : i64, scratch_operands = 0 : i64, tpu.core_type = #tpu.core_type<tc>, window_params = [{transform_indices = @transform_0, window_bounds = array<i64: 2048, 128>}, {transform_indices = @transform_1, window_bounds = array<i64: 2, 2048, 128>}, {transform_indices = @transform_2, window_bounds = array<i64: 32, 2048>}, {pipeline_mode = #tpu.pipeline_mode<synchronous>, transform_indices = @transform_3, window_bounds = array<i64: 128, 128>}, {pipeline_mode = #tpu.pipeline_mode<synchronous>, transform_indices = @transform_4, window_bounds = array<i64: 128, 128>}, {pipeline_mode = #tpu.pipeline_mode<synchronous>, transform_indices = @transform_5, window_bounds = array<i64: 1, 128>}, {pipeline_mode = #tpu.pipeline_mode<synchronous>, transform_indices = @transform_6, window_bounds = array<i64: 1, 128>}, {transform_indices = @transform_7, window_bounds = array<i64: 2048, 128>}]} {
    %get3A = arith.constant 0 : index
    %get3A_0 = arith.constant 0 : index
    %get3A_1 = vector.load %arg3[%get3A, %get3A_0] : memref<32x2048xf32, #tpu.memory_space<vmem>>, vector<32x2048xf32>
    %reduce_sum3A = arith.constant dense<0.000000e+00> : vector<2048xf32>
    %reduce_sum3A_2 = vector.multi_reduction <add>, %get3A_1, %reduce_sum3A [0] : vector<32x2048xf32> to vector<2048xf32>
    %broadcast_in_dim3A = vector.shape_cast %reduce_sum3A_2 : vector<2048xf32> to vector<1x2048xf32>
    %max3A = arith.constant 1.000000e+00 : f32
    %max3A_3 = vector.broadcast %max3A : f32 to vector<1x2048xf32>
    %max3A_4 = arith.maximumf %broadcast_in_dim3A, %max3A_3 : vector<1x2048xf32>
    %div3A = arith.constant 1.000000e+00 : f32
    %div3A_5 = vector.broadcast %div3A : f32 to vector<1x2048xf32>
    %div3A_6 = arith.divf %div3A_5, %max3A_4 : vector<1x2048xf32>
    %reshape3A = vector.shape_cast %div3A_6 : vector<1x2048xf32> to vector<2048x1xf32>
    %get3A_7 = arith.constant 0 : index
    %get3A_8 = arith.constant 0 : index
    %get3A_9 = arith.constant 0 : index
    %get3A_10 = vector.load %arg2[%get3A_7, %get3A_8, %get3A_9] : memref<2x2048x128xf32, #tpu.memory_space<vmem>>, vector<1x2048x128xf32>
    %get3A_11 = vector.shape_cast %get3A_10 : vector<1x2048x128xf32> to vector<2048x128xf32>
    %get3A_12 = arith.constant 1 : index
    %get3A_13 = arith.constant 0 : index
    %get3A_14 = arith.constant 0 : index
    %get3A_15 = vector.load %arg2[%get3A_12, %get3A_13, %get3A_14] : memref<2x2048x128xf32, #tpu.memory_space<vmem>>, vector<1x2048x128xf32>
    %get3A_16 = vector.shape_cast %get3A_15 : vector<1x2048x128xf32> to vector<2048x128xf32>
    %add3A = arith.addf %get3A_11, %get3A_16 : vector<2048x128xf32>
    %get3A_17 = arith.constant 0 : index
    %get3A_18 = arith.constant 0 : index
    %get3A_19 = vector.load %arg1[%get3A_17, %get3A_18] : memref<2048x128xf32, #tpu.memory_space<vmem>>, vector<2048x128xf32>
    %get3A_20 = arith.constant 0 : index
    %get3A_21 = arith.constant 0 : index
    %get3A_22 = vector.load %arg4[%get3A_20, %get3A_21] : memref<128x128xf32, #tpu.memory_space<vmem>>, vector<128x128xf32>
    %dot_general3A = arith.constant dense<0.000000e+00> : vector<2048x128xf32>
    %dot_general3A_23 = tpu.matmul %get3A_19, %get3A_22, %dot_general3A {dimension_numbers = #tpu.dot_dimension_numbers<[1], [1], [0], [0], [0, 0, 1, 0], [], []>, transpose_lhs_hint = false} : vector<2048x128xf32>, vector<128x128xf32>, vector<2048x128xf32> -> vector<2048x128xf32>
    %get3A_24 = arith.constant 0 : index
    %get3A_25 = arith.constant 0 : index
    %get3A_26 = vector.load %arg5[%get3A_24, %get3A_25] : memref<128x128xf32, #tpu.memory_space<vmem>>, vector<128x128xf32>
    %dot_general3A_27 = arith.constant dense<0.000000e+00> : vector<2048x128xf32>
    %dot_general3A_28 = tpu.matmul %add3A, %get3A_26, %dot_general3A_27 {dimension_numbers = #tpu.dot_dimension_numbers<[1], [1], [0], [0], [0, 0, 1, 0], [], []>, transpose_lhs_hint = false} : vector<2048x128xf32>, vector<128x128xf32>, vector<2048x128xf32> -> vector<2048x128xf32>
    %mul3A = vector.broadcast %reshape3A : vector<2048x1xf32> to vector<2048x128xf32>
    %mul3A_29 = arith.mulf %dot_general3A_28, %mul3A : vector<2048x128xf32>
    %add3A_30 = arith.addf %dot_general3A_23, %mul3A_29 : vector<2048x128xf32>
    %get3A_31 = arith.constant 0 : index
    %get3A_32 = arith.constant 0 : index
    %get3A_33 = vector.load %arg6[%get3A_31, %get3A_32] : memref<1x128xf32, #tpu.memory_space<vmem>>, vector<1x128xf32>
    %add3A_34 = vector.broadcast %get3A_33 : vector<1x128xf32> to vector<2048x128xf32>
    %add3A_35 = arith.addf %add3A_30, %add3A_34 : vector<2048x128xf32>
    %get3A_36 = arith.constant 0 : index
    %get3A_37 = arith.constant 0 : index
    %get3A_38 = vector.load %arg7[%get3A_36, %get3A_37] : memref<1x128xf32, #tpu.memory_space<vmem>>, vector<1x128xf32>
    %add3A_39 = vector.broadcast %get3A_38 : vector<1x128xf32> to vector<2048x128xf32>
    %add3A_40 = arith.addf %add3A_35, %add3A_39 : vector<2048x128xf32>
    %swap3A = arith.constant 0 : index
    %swap3A_41 = arith.constant 0 : index
    %swap3A_42 = vector.load %arg8[%swap3A, %swap3A_41] : memref<2048x128xf32, #tpu.memory_space<vmem>>, vector<2048x128xf32>
    tpu.vector_store %arg8[%swap3A, %swap3A_41], %add3A_40 {strides = array<i32>} : memref<2048x128xf32, #tpu.memory_space<vmem>>, vector<2048x128xf32>,
    return
  }
  func.func @transform_0(%arg0: i32) -> (i32, i32) {
    %c0_i32 = arith.constant 0 : i32
    %c0_i32_0 = arith.constant 0 : i32
    return %arg0, %c0_i32 : i32, i32
  }
  func.func @transform_1(%arg0: i32) -> (i32, i32, i32) {
    %c0_i32 = arith.constant 0 : i32
    %c0_i32_0 = arith.constant 0 : i32
    %c0_i32_1 = arith.constant 0 : i32
    return %c0_i32, %arg0, %c0_i32_0 : i32, i32, i32
  }
  func.func @transform_2(%arg0: i32) -> (i32, i32) {
    %c0_i32 = arith.constant 0 : i32
    %c0_i32_0 = arith.constant 0 : i32
    return %c0_i32, %arg0 : i32, i32
  }
  func.func @transform_3(%arg0: i32) -> (i32, i32) {
    %c0_i32 = arith.constant 0 : i32
    %c0_i32_0 = arith.constant 0 : i32
    %c0_i32_1 = arith.constant 0 : i32
    return %c0_i32, %c0_i32_0 : i32, i32
  }
  func.func @transform_4(%arg0: i32) -> (i32, i32) {
    %c0_i32 = arith.constant 0 : i32
    %c0_i32_0 = arith.constant 0 : i32
    %c0_i32_1 = arith.constant 0 : i32
    return %c0_i32, %c0_i32_0 : i32, i32
  }
  func.func @transform_5(%arg0: i32) -> (i32, i32) {
    %c0_i32 = arith.constant 0 : i32
    %c0_i32_0 = arith.constant 0 : i32
    %c0_i32_1 = arith.constant 0 : i32
    return %c0_i32, %c0_i32_0 : i32, i32
  }
  func.func @transform_6(%arg0: i32) -> (i32, i32) {
    %c0_i32 = arith.constant 0 : i32
    %c0_i32_0 = arith.constant 0 : i32
    %c0_i32_1 = arith.constant 0 : i32
    return %c0_i32, %c0_i32_0 : i32, i32
  }
  func.func @transform_7(%arg0: i32) -> (i32, i32) {
    %c0_i32 = arith.constant 0 : i32
    %c0_i32_0 = arith.constant 0 : i32
    return %arg0, %c0_i32 : i32, i32
  }
}

</mosaic_0001>

<sc_bundles>
// kernel: kernel.4.cloned.1.call-start
scs
__scs_entry_jumppad:
0x0: {  	(pc) =	sbr.rel $0x88, $3  }
0x1: {  	(tag) =	ssettag $0x0;
	lr =	simm.s32 $0x1  }
0x2: {  	[smem:$0x3F9B] =	sst lr;
	_ =	strace $0xD0000000  }
0x3: {  	_ = 	snop  }
0x4: {  	_ = 	snop  }
0x5: {  	_ = 	snop  }
0x6: {  	_ = 	snop  }
0x7: {  	_ = 	snop  }
__scs_overlays_trampoline_lowered:
0x8: {  	[smem:$0x3FAA] =	sst s0  }
0x9: {  	[smem:$0x3FAB] =	sst s1  }
0xa: {  	[smem:$0x3FAC] =	sst s2  }
0xb: {  	[smem:$0x3FAD] =	sst s3  }
0xc: {  	[smem:$0x3FAE] =	sst s4  }
0xd: {  	[smem:$0x3FAF] =	sst s5  }
0xe: {  	[smem:$0x3FB0] =	sst s6  }
0xf: {  	[smem:$0x3FB1] =	sst s7  }
0x10: {  	[smem:$0x3FB2] =	sst s8  }
0x11: {  	[smem:$0x3FB3] =	sst s9;
	s0 =	simm.s32 @!p0 $0x0  }
0x12: {  	s1 =	sld [smem:$0x3F99];
	s0 =	simm.s32 @p0 $0x1  }
0x13: {  	[smem:$0x3FB4] =	sst s0;
	s0 =	simm.s32 @!p1 $0x0  }
0x14: {  	s2 =	sld [smem:$0x3F98];
	s0 =	simm.s32 @p1 $0x1  }
0x15: {  	[smem:$0x3FB5] =	sst s0;
	s0 =	simm.s32 @!p2 $0x0  }
0x16: {  	s3 =	sld [smem:$0x3FDB];
	s0 =	simm.s32 @p2 $0x1  }
0x17: {  	s4 =	simm.s32 $0x1BF5;
	[smem:$0x3FB7] =	sst s0  }
0x18: {  	s0 =	sld [smem:$0x3F9A];
	_ =	swait.ge [sflag:s4], $0x0  }
0x19: {  	s7 =	sld [smem:$0x3F9B]  }
0x1a: {  	s8 =	sadd.s32 $0xFFFFE003, lr  }
0x1b: {  	s9 =	sadd.s32 $0xFFFFFEF7, lr;
	s5 =	simm.s32 $0xFFFFFFFF;
	p2 =	slt.u32 s8, $0xFFFFF086  }
0x1c: {  	p1 =	slt.u32 s9, $0xF7A;
	s5 =	simm.s32 @!p2 $0x0  }
0x1d: {  	s5 =	simm.s32 @p1 $0x1;
	p0 =	seq.s32 s7, s2  }
0x1e: {  	s7 =	smul.u32 @!p0 $0xF7A, s2;
	p2 =	seq.s32 @!p0 s5, $0x0  }
0x1f: {  	s9 =	smul.u32 $0xF7A, s1;
	s8 =	simm.s32 @!p0 $0x1BF5;
	p2 =	por !p2, p0  }
0x20: {  	[sflag:s8] =	ssyncset.s32 @!p0 $0xFFFFF086;
	s6 =	sadd.s32 @!p0 s3, s7;
	s7 =	simm.s32 @!p0 $0x108  }
0x21: {  	s3 =	sadd.s32 s3, s9;
	s6 =	sadd.s32 @!p0 $0x88, s6;
	s7 =	simm.s32 @p2 $0x1082  }
0x22: {  	[simem:s7], [sflag:s8] =	dma.local @!p0 [hbm:s6], $0xF7A  }
0x23: {  	s9 =	sor.u32 $0xD0000000, s2;
	s6 =	simm.s32 $0x108;
	_ =	swait.ge @!p0 [sflag:s8], $0x0  }
0x24: {  	s3 =	sadd.s32 $0x88, s3;
	s6 =	simm.s32 @!p1 $0x1082;
	[sflag:s4] =	ssyncset.s32 $0xFFFFF086  }
0x25: {  	[simem:s6], [sflag:s4] =	dma.local [hbm:s3], $0xF7A  }
0x26: {  	[smem:$0x3F9B] =	sst s1;
	(tag) =	ssettag s2;
	_ =	strace s9  }
0x27: {  	s1 =	sld [smem:$0x3FAB]  }
0x28: {  	s2 =	sld [smem:$0x3FAC]  }
0x29: {  	s4 =	sld [smem:$0x3FAE]  }
0x2a: {  	p0 =	seq.s32 s5, $0x0;
	s5 =	sld [smem:$0x3FAF]  }
0x2b: {  	s6 =	sld [smem:$0x3FB0]  }
0x2c: {  	s7 =	sld [smem:$0x3FB1]  }
0x2d: {  	s3 =	simm.s32 $0x108;
	s8 =	sld [smem:$0x3FB2]  }
0x2e: {  	s3 =	simm.s32 @!p0 $0x1082;
	s9 =	sld [smem:$0x3FB3]  }
0x2f: {  	lr =	sadd.s32 s0, s3;
	s0 =	sld [smem:$0x3FAA]  }
0x30: {  	s3 =	sld [smem:$0x3FAD]  }
0x31: {  	[smem:$0x3FB6] =	sst s10  }
0x32: {  	s10 =	sld [smem:$0x3FB4];
	_ =	sdelay $0x3  }
0x33: {  	p0 =	seq.s32 s10, $0x1;
	s10 =	sld [smem:$0x3FB6];
	_ =	sdelay $0x3  }
0x34: {  	[smem:$0x3FB6] =	sst s10  }
0x35: {  	s10 =	sld [smem:$0x3FB5];
	_ =	sdelay $0x3  }
0x36: {  	p1 =	seq.s32 s10, $0x1;
	s10 =	sld [smem:$0x3FB6];
	_ =	sdelay $0x3  }
0x37: {  	[smem:$0x3FB6] =	sst s10  }
0x38: {  	s10 =	sld [smem:$0x3FB7]  }
0x39: {  	_ = 	snop;
	(pc) =	sbr.ind lr, $3  }
0x3a: {  	_ = 	snop  }
0x3b: {  	_ = 	snop  }
0x3c: {  	p2 =	seq.s32 s10, $0x1;
	s10 =	sld [smem:$0x3FB6]  }
0x3d: {  	_ =	shalt  }
0x3e: {  	_ =	shalt  }
0x3f: {  	_ =	shalt  }
0x40: {  	_ =	shalt  }
0x41: {  	_ =	shalt  }
0x42: {  	_ =	shalt  }
0x43: {  	_ =	shalt  }
0x44: {  	_ =	shalt  }
0x45: {  	_ =	shalt  }
0x46: {  	_ =	shalt  }
0x47: {  	_ =	shalt  }
0x48: {  	_ =	shalt  }
0x49: {  	_ =	shalt  }
0x4a: {  	_ =	shalt  }
0x4b: {  	_ =	shalt  }
0x4c: {  	_ =	shalt  }
0x4d: {  	_ =	shalt  }
0x4e: {  	_ =	shalt  }
0x4f: {  	_ =	shalt  }
0x50: {  	_ =	shalt  }
0x51: {  	_ =	shalt  }
0x52: {  	_ =	shalt  }
0x53: {  	_ =	shalt  }
0x54: {  	_ =	shalt  }
0x55: {  	_ =	shalt  }
0x56: {  	_ =	shalt  }
0x57: {  	_ =	shalt  }
0x58: {  	_ =	shalt  }
0x59: {  	_ =	shalt  }
0x5a: {  	_ =	shalt  }
0x5b: {  	_ =	shalt  }
0x5c: {  	_ =	shalt  }
0x5d: {  	_ =	shalt  }
0x5e: {  	_ =	shalt  }
0x5f: {  	_ =	shalt  }
0x60: {  	_ =	shalt  }
0x61: {  	_ =	shalt  }
0x62: {  	_ =	shalt  }
0x63: {  	_ =	shalt  }
0x64: {  	_ =	shalt  }
0x65: {  	_ =	shalt  }
0x66: {  	_ =	shalt  }
0x67: {  	_ =	shalt  }
0x68: {  	_ =	shalt  }
0x69: {  	_ =	shalt  }
0x6a: {  	_ =	shalt  }
0x6b: {  	_ =	shalt  }
0x6c: {  	_ =	shalt  }
0x6d: {  	_ =	shalt  }
0x6e: {  	_ =	shalt  }
0x6f: {  	_ =	shalt  }
0x70: {  	_ =	shalt  }
0x71: {  	_ =	shalt  }
0x72: {  	_ =	shalt  }
0x73: {  	_ =	shalt  }
0x74: {  	_ =	shalt  }
0x75: {  	_ =	shalt  }
0x76: {  	_ =	shalt  }
0x77: {  	_ =	shalt  }
0x78: {  	_ =	shalt  }
0x79: {  	_ =	shalt  }
0x7a: {  	_ =	shalt  }
0x7b: {  	_ =	shalt  }
0x7c: {  	_ =	shalt  }
0x7d: {  	_ =	shalt  }
0x7e: {  	_ =	shalt  }
0x7f: {  	_ =	shalt  }
0x80: {  	_ =	shalt  }
0x81: {  	_ =	shalt  }
0x82: {  	_ =	shalt  }
0x83: {  	_ =	shalt  }
0x84: {  	_ =	shalt  }
0x85: {  	_ =	shalt  }
0x86: {  	_ =	shalt  }
0x87: {  	_ =	shalt  }
.Lfunc_end0:
.L_simem_size_0:
called_computation_lowered:
.L_overlay_start_0:
0x88: {  	s2 =	sld [smem:$0x3FD9]  }
0x89: {  	s3 =	sld [smem:$0x3FFE];
	_ =	sdelay $0x1  }
0x8a: {  	s1 =	srdreg.scid  }
0x8b: {  	s0 =	sand.u32 $0x1, s1  }
0x8c: {  	s17 =	sshll.u32 s0, $0xA;
	s2 =	sadd.s32 s3, s2  }
0x8d: {  	s2 =	sadd.s32 s2, s17  }
0x8e: {  	[smem:$0x3FC2] =	sst s2  }
0x8f: {  	_ = 	snop  }
0x90: {  	s2 =	sld [smem:$0x3FC9]  }
0x91: {  	s18 =	sld [smem:$0x3FC8]  }
0x92: {  	s4 =	sld [smem:$0x3FD0];
	(tm) =	ssettm $0x1  }
0x93: {  	s5 =	sld [smem:$0x3FFB];
	_ =	sdelay $0x3  }
0x94: {  	_ =	strace s5  }
0x95: {  	s5 =	sld [smem:$0x3FFC];
	_ =	sdelay $0x3  }
0x96: {  	_ =	strace s5  }
0x97: {  	s5 =	sld [smem:$0x3FFD];
	_ =	sdelay $0x3  }
0x98: {  	_ =	strace s5  }
0x99: {  	_ =	strace $0x8FFFFFFF  }
0x9a: {  	s19 =	sld [smem:$0x3FDB];
	_ =	sdelay $0x1  }
0x9b: {  	s6 =	simm.s32 $_scs_section_size  }
0x9c: {  	s7 =	simm.s32 $_size__tile_overlayer_lowered;
	s8 =	simm.s32 $_tile_overlayer_lowered  }
0x9d: {  	s22 =	simm.s32 $0x1BFF;
	s21 =	sshll.u32 s8, $0x1;
	s5 =	sadd.s32 s6, s19  }
0x9e: {  	s9 =	simm.s32 $0x0;
	s20 =	sshll.u32 s7, $0x1;
	s7 =	sadd.s32 s21, s5  }
0x9f: {  	[timem:s9], [sflag:s22] =	dma.local [hbm:s7], s20  }
0xa0: {  	_ =	swait.ge [sflag:s22], s20  }
0xa1: {  	s6 =	ssub.s32 $0x0, s20;
	[sflag:s22] =	ssyncset.done $0x0  }
0xa2: {  	[sflag:s22] =	ssyncadd.s32 s6;
	_ =	sdelay $0x1  }
0xa3: {  	s23 =	simm.s32 $0x1B8B  }
0xa4: {  	_ =	swait.ge [sflag:s23], $0x1  }
0xa5: {  	[sflag:s23] =	ssyncset.done $0x0  }
0xa6: {  	s25 =	simm.s32 $0x1B8E;
	s24 =	sld [smem:$0x3FFE];
	[sflag:s23] =	ssyncadd.s32 $0xFFFFFFFF  }
0xa7: {  	s26 =	simm.s32 $execute0_lowered;
	[smem:$0x3FD2] =	sst s25  }
0xa8: {  	s7 =	sshll.u32 s26, $0x1;
	_ =	strace $0x80000046;
	[dreg:$0x1] =	wrdreg $0xFFFFFFFF  }
0xa9: {  	s28 =	simm.s32 $_size_execute0_lowered;
	s5 =	sadd.s32 s5, s7;
	[dreg:$0x0] =	wrdreg $0x0  }
0xaa: {  	s7 =	sshll.u32 s28, $0x1;
	[dreg:$0x2] =	wrdreg s5  }
0xab: {  	[dreg:$0x3] =	wrdreg s7  }
0xac: {  	[dreg:$0x4] =	wrdreg $0xC0  }
0xad: {  	_ =	task [dreg:s9], $0x5FFFF  }
0xae: {  	[dreg:$0x1] =	wrdreg $0xFFFFFFFF  }
0xaf: {  	[dreg:$0x0] =	wrdreg $0x60  }
0xb0: {  	[dreg:$0x2] =	wrdreg s2  }
0xb1: {  	[dreg:$0x3] =	wrdreg s18  }
0xb2: {  	[dreg:$0x4] =	wrdreg s24  }
0xb3: {  	[dreg:$0x5] =	wrdreg s4  }
0xb4: {  	[dreg:$0x6] =	wrdreg $0x0  }
0xb5: {  	[dreg:$0x7] =	wrdreg $0x9  }
0xb6: {  	_ =	task.clear_ibuf [dreg:s9], $0x8FFFF;
	_ =	strace $0x90000046  }
0xb7: {  	s29 =	simm.s32 $0x9;
	_ =	strace $0x80000048  }
0xb8: {  	_ =	swait.ge [sflag:s29], $0x1  }
0xb9: {  	[sflag:s29] =	ssyncadd.s32 $0xFFFFFFFF  }
0xba: {  	_ =	strace $0x90000048  }
0xbb: {  	_ =	sfence  }
0xbc: {  	s30 =	sld [smem:$0x0];
	_ =	sdelay $0x2  }
0xbd: {  	s31 =	sshll.u32 s1, $0xD;
	s1 =	sshrl.u32 s1, $0x2  }
0xbe: {  	s3 =	sand.u32 $0x4000, s31;
	s1 =	sadd.s32 s1, s30  }
0xbf: {  	s0 =	sor.u32 s3, s0;
	s1 =	sshll.u32 s1, $0x11  }
0xc0: {  	s0 =	sor.u32 s1, s0  }
0xc1: {  	s0 =	sadd.s32 $0x8F2B, s0  }
0xc2: {  	[sflag:s0] =	ssyncadd.remote.s32 $0x1  }
0xc3: {  	_ =	sfence.sel $0xFFFF  }
0xc4: {  	[dreg:$0x0] =	wrdreg $0xFFFFFFFF;
	(pc) =	sbr.abs _section_cstart, $3  }
0xc5: {  	[dreg:$0x1] =	wrdreg $0xFFFFFFFF  }
0xc6: {  	_ =	task.clear_ibuf [dreg:s9], $0x2FFFF;
	_ =	strace $0x9FFFFFFF  }
0xc7: {  	(tm) =	ssettm $0x7FFFFFFF  }
tec
execute0_lowered:
.L_overlay_start_1:
0x0: {  	(tag) =	ssettag $0x1  }
0x1: {  	s0 =	rddreg [dreg:$0x0]  }
0x2: {  	s1 =	rddreg [dreg:$0x1]  }
0x3: {  	s5 =	rddreg [dreg:$0x2]  }
0x4: {  	s2 =	srdreg.scid;
	s7 =	rddreg [dreg:$0x3]  }
0x5: {  	s12 =	stileid.u32;
	s3 =	rddreg [dreg:$0x4]  }
0x6: {  	s4 =	simm.s32 $0x0;
	s28 =	simm.s32 $0x2;
	s29 =	simm.s32 $0x18200  }
0x7: {  	s30 =	simm.s32 $0x14080;
	s31 =	simm.s32 $0x1C200;
	s8 =	smul.u32 $0x14000, s12  }
0x8: {  	s2 =	sand.u32 $0x1, s2;
	[smem:$0x7FF] =	sst s4;
	s16 =	smul.u32 $0x50000, s12  }
0x9: {  	s22 =	sshll.u32 s12, $0x5;
	s6 =	smul.u32 $0x140000, s2;
	_ =	strace $0x80000047  }
0xa: {  	s17 =	ssub.s32 $0x2, s2;
	s10 =	sshll.u32 s2, $0x4;
	s2 =	sshll.u32 s2, $0x9  }
0xb: {  	s9 =	sshrl.u32 s17, $0x1;
	s11 =	sor.u32 s12, s10;
	s6 =	sadd.s32 s8, s6  }
0xc: {  	s8 =	sshrl.u32 s16, $0x2;
	s9 =	ssub.s32 s17, s9;
	s19 =	sshll.u32 s11, $0x5  }
0xd: {  	s26 =	smul.u32 $0x500, s11;
	p0 =	sgt.u32 s11, $0x3;
	s6 =	sshrl.u32 s6, $0x3  }
0xe: {  	s10 =	sadd.s32 s1, s19;
	s1 =	sadd.s32 s22, s1;
	s19 =	smax.u32 s9, $0x1  }
0xf: {  	s22 =	simm.s32 $0x4;
	s6 =	sadd.s32 s6, s5;
	s5 =	sadd.s32 s8, s3  }
0x10: {  	s23 =	sadd.s32 $0x400, s10;
	s24 =	sadd.s32 $0x800, s10;
	s25 =	sadd.s32 $0x12C00, s10  }
0x11: {  	s14 =	sadd.s32 $0x13000, s10;
	s15 =	sadd.s32 $0x13400, s10;
	[dreg:$0xa] =	wrdreg s23  }
0x12: {  	s16 =	sadd.s32 $0x13800, s1;
	s17 =	sadd.s32 s7, s26;
	[dreg:$0xb] =	wrdreg s24  }
0x13: {  	s26 =	simm.s32 $0x18100;
	s8 =	sadd.s32 $0x4000, s5;
	[dreg:$0xc] =	wrdreg s25  }
0x14: {  	s7 =	simm.s32 $0x1C280;
	s18 =	sadd.s32 $0x8000, s5;
	[dreg:$0x6] =	wrdreg s8  }
0x15: {  	s20 =	sadd.s32 $0xC000, s5;
	s21 =	sadd.s32 $0x10000, s5;
	[dreg:$0x7] =	wrdreg s18  }
0x16: {  	s23 =	simm.s32 $0x14000;
	s24 =	simm.s32 $0x1;
	[dreg:$0x8] =	wrdreg s20  }
0x17: {  	s25 =	simm.s32 $0x80;
	[dreg:$0x9] =	wrdreg s21;
	s18 =	sadd.s32 $0x1A00, s6  }
0x18: {  	s20 =	sadd.s32 s2, s1;
	s21 =	simm.s32 $0x14100;
	s2 =	simm.s32 $0x1C400  }
0x19: {  	v0 =	vimm.f32 $0.0e+00;
	v1 =	vimm.f32 $1.000000000e+00;
	s1 =	simm.s32 $0x3;
	s6 =	simm.s32 $0x18180;
	s8 =	simm.s32 $0x0  }
.LBB2_1:
0x1a: {  	s9 =	simm.s32 $0x0;
	s11 =	simm.s32 $0x200  }
.LBB2_2:
0x1b: {  	p1 =	sne.s32 s11, $0xFE00;
	[tilespmem:s9+$0x14170] =	vst v0  }
0x1c: {  	[tilespmem:s9+$0x14100] =	vst v0  }
0x1d: {  	[tilespmem:s9+$0x14110] =	vst v0  }
.Ltmp0:
0x1e: {  	[tilespmem:s9+$0x14120] =	vst v0;
	(pc) =	sbr.rel @p1 .LBB2_2-.Ltmp0, $4  }
0x1f: {  	[tilespmem:s9+$0x14130] =	vst v0  }
0x20: {  	[tilespmem:s9+$0x14140] =	vst v0  }
0x21: {  	[tilespmem:s9+$0x14150] =	vst v0  }
0x22: {  	[tilespmem:s9+$0x14160] =	vst v0;
	s9 =	sshra.s32 s11, $0x2;
	s11 =	sadd.s32 $0x200, s11  }
0x23: {  	[tilespmem:s9+$0x14170] =	vst v0  }
0x24: {  	[tilespmem:s9+$0x14100] =	vst v0  }
0x25: {  	[tilespmem:s9+$0x14110] =	vst v0  }
0x26: {  	[tilespmem:s9+$0x14120] =	vst v0  }
0x27: {  	[tilespmem:s9+$0x14130] =	vst v0  }
0x28: {  	[tilespmem:s9+$0x14140] =	vst v0  }
0x29: {  	[tilespmem:s9+$0x14150] =	vst v0  }
0x2a: {  	[tilespmem:s9+$0x14160] =	vst v0  }
0x2b: {  	[spmem:s5] =	stream.linear.scatter [tilespmem:s21], [sflag:$0x4], $0x4000, $0x38;
	[tilespmem:$0x1EC00] =	vst v63  }
0x2c: {  	_ =	swait.ge [sflag:s22], $0x4000  }
0x2d: {  	[sflag:s22] =	ssyncset.done $0x0  }
0x2e: {  	s13 =	rddreg [dreg:$0x6];
	[sflag:s22] =	ssyncadd.s32 $0xFFFFC000  }
0x2f: {  	[spmem:s13] =	stream.linear.scatter [tilespmem:s21], [sflag:$0x4], $0x4000, $0x38;
	[tilespmem:$0x1EC00] =	vst v63  }
0x30: {  	_ =	swait.ge [sflag:s22], $0x4000  }
0x31: {  	[sflag:s22] =	ssyncset.done $0x0  }
0x32: {  	s11 =	rddreg [dreg:$0x7];
	[sflag:s22] =	ssyncadd.s32 $0xFFFFC000  }
0x33: {  	[spmem:s11] =	stream.linear.scatter [tilespmem:s21], [sflag:$0x4], $0x4000, $0x38;
	[tilespmem:$0x1EC00] =	vst v63  }
0x34: {  	_ =	swait.ge [sflag:s22], $0x4000  }
0x35: {  	[sflag:s22] =	ssyncset.done $0x0  }
0x36: {  	s12 =	rddreg [dreg:$0x8];
	[sflag:s22] =	ssyncadd.s32 $0xFFFFC000  }
0x37: {  	[spmem:s12] =	stream.linear.scatter [tilespmem:s21], [sflag:$0x4], $0x4000, $0x38;
	[tilespmem:$0x1EC00] =	vst v63  }
0x38: {  	_ =	swait.ge [sflag:s22], $0x4000  }
0x39: {  	[sflag:s22] =	ssyncset.done $0x0  }
0x3a: {  	s13 =	rddreg [dreg:$0x9];
	[sflag:s22] =	ssyncadd.s32 $0xFFFFC000  }
0x3b: {  	[spmem:s13] =	stream.linear.scatter [tilespmem:s21], [sflag:$0x4], $0x4000, $0x38;
	[tilespmem:$0x1EC00] =	vst v63  }
0x3c: {  	_ =	swait.ge [sflag:s22], $0x4000  }
0x3d: {  	[sflag:s22] =	ssyncset.done $0x0  }
0x3e: {  	s9 =	simm.s32 $0x40;
	s11 =	simm.s32 $0x0;
	[sflag:s22] =	ssyncadd.s32 $0xFFFFC000  }
.LBB2_4:
0x3f: {  	p1 =	sne.s32 s9, $0x9FC0;
	[tilespmem:s11+$0x1C400] =	vst v0;
	s11 =	smov.u32 s9;
	s9 =	sadd.s32 $0x40, s9  }
.Ltmp1:
0x40: {  	(pc) =	sbr.rel @p1 .LBB2_4-.Ltmp1, $2  }
0x41: {  	_ =	sdelay $0x2  }
0x42: {  	s11 =	sshra.s32 s11, $0x2  }
0x43: {  	[tilespmem:s11+$0x1C400] =	vst v0  }
0x44: {  	s9 =	simm.s32 $0x0;
	[bflag:$0x0] =	sbarrier.arrive $0xFFFF  }
0x45: {  	[tilespmem:s23], [sflag:$0x1] =	stream.linear.gather [hbm4b:s10+s9], $0x100, $0x38;
	[tilespmem:$0x1EC00] =	vst v63  }
0x46: {  	_ =	swait.ge [sflag:s24], $0x100  }
0x47: {  	[sflag:s24] =	ssyncset.done $0x0  }
0x48: {  	[sflag:s24] =	ssyncadd.s32 $0xFFFFFF00  }
0x49: {  	[tilespmem:s21], [sflag:$0x2] =	stream.indirect.gather [hbm4b:s0+s25], $0x80, s23, s25, $0xb8;
	[tilespmem:$0x1EC00] =	vst v63  }
0x4a: {  	s12 =	rddreg [dreg:$0xa]  }
0x4b: {  	[tilespmem:s26], [sflag:$0x1] =	stream.linear.gather [hbm4b:s12+s9], $0x100, $0x38;
	[tilespmem:$0x1EC00] =	vst v63  }
0x4c: {  	_ =	swait.ge [sflag:s28], $0x4000  }
0x4d: {  	[sflag:s28] =	ssyncset.done $0x0  }
0x4e: {  	[sflag:s28] =	ssyncadd.s32 $0xFFFFC000  }
0x4f: {  	_ =	swait.ge [sflag:s24], $0x100  }
0x50: {  	[sflag:s24] =	ssyncset.done $0x0  }
0x51: {  	[sflag:s24] =	ssyncadd.s32 $0xFFFFFF00  }
0x52: {  	[tilespmem:s29], [sflag:$0x2] =	stream.indirect.gather [hbm4b:s0+s25], $0x80, s26, s25, $0xb8;
	[tilespmem:$0x1EC00] =	vst v63  }
0x53: {  	_ = 	snop  }
0x54: {  	[spmem:s3] =	stream.indirect.scatter.add.f32 [tilespmem:s21], [sflag:$0x3], $0x80, s30, s25, $0xb8;
	[tilespmem:$0x1EC00] =	vst v63  }
0x55: {  	s13 =	rddreg [dreg:$0xb]  }
0x56: {  	[tilespmem:s31], [sflag:$0x1] =	stream.linear.gather [hbm4b:s13+s9], $0x100, $0x38;
	[tilespmem:$0x1EC00] =	vst v63  }
0x57: {  	v2 =	vld [tilespmem:$0x14080];
	_ =	sdelay $0x7  }
0x58: {  	[tilespmem:v2+s2+$0x0] =	vst.idx.add.f32.msk $0xffff, v1  }
0x59: {  	v2 =	vld [tilespmem:$0x14090];
	_ =	sdelay $0x7  }
0x5a: {  	[tilespmem:v2+s2+$0x0] =	vst.idx.add.f32.msk $0xffff, v1  }
0x5b: {  	v2 =	vld [tilespmem:$0x140A0];
	_ =	sdelay $0x7  }
0x5c: {  	[tilespmem:v2+s2+$0x0] =	vst.idx.add.f32.msk $0xffff, v1  }
0x5d: {  	v2 =	vld [tilespmem:$0x140B0];
	_ =	sdelay $0x7  }
0x5e: {  	[tilespmem:v2+s2+$0x0] =	vst.idx.add.f32.msk $0xffff, v1  }
0x5f: {  	v2 =	vld [tilespmem:$0x140C0];
	_ =	sdelay $0x7  }
0x60: {  	[tilespmem:v2+s2+$0x0] =	vst.idx.add.f32.msk $0xffff, v1  }
0x61: {  	v2 =	vld [tilespmem:$0x140D0];
	_ =	sdelay $0x7  }
0x62: {  	[tilespmem:v2+s2+$0x0] =	vst.idx.add.f32.msk $0xffff, v1  }
0x63: {  	v2 =	vld [tilespmem:$0x140E0];
	_ =	sdelay $0x7  }
0x64: {  	[tilespmem:v2+s2+$0x0] =	vst.idx.add.f32.msk $0xffff, v1  }
0x65: {  	v2 =	vld [tilespmem:$0x140F0];
	_ =	sdelay $0x7  }
0x66: {  	[tilespmem:v2+s2+$0x0] =	vst.idx.add.f32.msk $0xffff, v1  }
.LBB2_6:
0x67: {  	_ =	swait.ge [sflag:s28], $0x4000  }
0x68: {  	[sflag:s28] =	ssyncset.done $0x0  }
0x69: {  	[sflag:s28] =	ssyncadd.s32 $0xFFFFC000  }
0x6a: {  	_ =	swait.ge [sflag:s24], $0x100  }
0x6b: {  	[sflag:s24] =	ssyncset.done $0x0  }
0x6c: {  	[sflag:s24] =	ssyncadd.s32 $0xFFFFFF00  }
0x6d: {  	_ =	swait.ge [sflag:s1], $0x4000  }
0x6e: {  	[sflag:s1] =	ssyncset.done $0x0  }
0x6f: {  	[sflag:s1] =	ssyncadd.s32 $0xFFFFC000  }
0x70: {  	[tilespmem:s21], [sflag:$0x2] =	stream.indirect.gather [hbm4b:s0+s25], $0x80, s31, s25, $0xb8;
	[tilespmem:$0x1EC00] =	vst v63  }
0x71: {  	s11 =	sadd.s32 s9, s20  }
0x72: {  	[spmem:s3] =	stream.indirect.scatter.add.f32 [tilespmem:s29], [sflag:$0x3], $0x80, s6, s25, $0xb8;
	[tilespmem:$0x1EC00] =	vst v63  }
0x73: {  	s12 =	sadd.s32 $0xC00, s11  }
0x74: {  	[tilespmem:s23], [sflag:$0x1] =	stream.linear.gather [hbm4b:s12+s4], $0x100, $0x38;
	[tilespmem:$0x1EC00] =	vst v63  }
0x75: {  	v2 =	vld [tilespmem:$0x18180];
	_ =	sdelay $0x7  }
0x76: {  	[tilespmem:v2+s2+$0x0] =	vst.idx.add.f32.msk $0xffff, v1  }
0x77: {  	v2 =	vld [tilespmem:$0x18190];
	_ =	sdelay $0x7  }
0x78: {  	[tilespmem:v2+s2+$0x0] =	vst.idx.add.f32.msk $0xffff, v1  }
0x79: {  	v2 =	vld [tilespmem:$0x181A0];
	_ =	sdelay $0x7  }
0x7a: {  	[tilespmem:v2+s2+$0x0] =	vst.idx.add.f32.msk $0xffff, v1  }
0x7b: {  	v2 =	vld [tilespmem:$0x181B0];
	_ =	sdelay $0x7  }
0x7c: {  	[tilespmem:v2+s2+$0x0] =	vst.idx.add.f32.msk $0xffff, v1  }
0x7d: {  	v2 =	vld [tilespmem:$0x181C0];
	_ =	sdelay $0x7  }
0x7e: {  	[tilespmem:v2+s2+$0x0] =	vst.idx.add.f32.msk $0xffff, v1  }
0x7f: {  	v2 =	vld [tilespmem:$0x181D0];
	_ =	sdelay $0x7  }
0x80: {  	[tilespmem:v2+s2+$0x0] =	vst.idx.add.f32.msk $0xffff, v1  }
0x81: {  	v2 =	vld [tilespmem:$0x181E0];
	_ =	sdelay $0x7  }
0x82: {  	[tilespmem:v2+s2+$0x0] =	vst.idx.add.f32.msk $0xffff, v1  }
0x83: {  	v2 =	vld [tilespmem:$0x181F0];
	_ =	sdelay $0x7  }
0x84: {  	[tilespmem:v2+s2+$0x0] =	vst.idx.add.f32.msk $0xffff, v1  }
0x85: {  	_ =	swait.ge [sflag:s28], $0x4000  }
0x86: {  	[sflag:s28] =	ssyncset.done $0x0  }
0x87: {  	[sflag:s28] =	ssyncadd.s32 $0xFFFFC000  }
0x88: {  	_ =	swait.ge [sflag:s24], $0x100  }
0x89: {  	[sflag:s24] =	ssyncset.done $0x0  }
0x8a: {  	[sflag:s24] =	ssyncadd.s32 $0xFFFFFF00  }
0x8b: {  	_ =	swait.ge [sflag:s1], $0x4000  }
0x8c: {  	[sflag:s1] =	ssyncset.done $0x0  }
0x8d: {  	[sflag:s1] =	ssyncadd.s32 $0xFFFFC000  }
0x8e: {  	[tilespmem:s29], [sflag:$0x2] =	stream.indirect.gather [hbm4b:s0+s25], $0x80, s23, s25, $0xb8;
	[tilespmem:$0x1EC00] =	vst v63  }
0x8f: {  	_ = 	snop  }
0x90: {  	[spmem:s3] =	stream.indirect.scatter.add.f32 [tilespmem:s21], [sflag:$0x3], $0x80, s7, s25, $0xb8;
	[tilespmem:$0x1EC00] =	vst v63  }
0x91: {  	s13 =	sadd.s32 $0x1000, s11  }
0x92: {  	[tilespmem:s26], [sflag:$0x1] =	stream.linear.gather [hbm4b:s13+s4], $0x100, $0x38;
	[tilespmem:$0x1EC00] =	vst v63  }
0x93: {  	v2 =	vld [tilespmem:$0x1C280];
	_ =	sdelay $0x7  }
0x94: {  	[tilespmem:v2+s2+$0x0] =	vst.idx.add.f32.msk $0xffff, v1  }
0x95: {  	v2 =	vld [tilespmem:$0x1C290];
	_ =	sdelay $0x7  }
0x96: {  	[tilespmem:v2+s2+$0x0] =	vst.idx.add.f32.msk $0xffff, v1  }
0x97: {  	v2 =	vld [tilespmem:$0x1C2A0];
	_ =	sdelay $0x7  }
0x98: {  	[tilespmem:v2+s2+$0x0] =	vst.idx.add.f32.msk $0xffff, v1  }
0x99: {  	v2 =	vld [tilespmem:$0x1C2B0];
	_ =	sdelay $0x7  }
0x9a: {  	[tilespmem:v2+s2+$0x0] =	vst.idx.add.f32.msk $0xffff, v1  }
0x9b: {  	v2 =	vld [tilespmem:$0x1C2C0];
	_ =	sdelay $0x7  }
0x9c: {  	[tilespmem:v2+s2+$0x0] =	vst.idx.add.f32.msk $0xffff, v1  }
0x9d: {  	v2 =	vld [tilespmem:$0x1C2D0];
	_ =	sdelay $0x7  }
0x9e: {  	[tilespmem:v2+s2+$0x0] =	vst.idx.add.f32.msk $0xffff, v1  }
0x9f: {  	v2 =	vld [tilespmem:$0x1C2E0];
	_ =	sdelay $0x7  }
0xa0: {  	[tilespmem:v2+s2+$0x0] =	vst.idx.add.f32.msk $0xffff, v1  }
0xa1: {  	v2 =	vld [tilespmem:$0x1C2F0];
	_ =	sdelay $0x7  }
0xa2: {  	[tilespmem:v2+s2+$0x0] =	vst.idx.add.f32.msk $0xffff, v1  }
0xa3: {  	_ =	swait.ge [sflag:s28], $0x4000  }
0xa4: {  	[sflag:s28] =	ssyncset.done $0x0  }
0xa5: {  	[sflag:s28] =	ssyncadd.s32 $0xFFFFC000  }
0xa6: {  	_ =	swait.ge [sflag:s24], $0x100  }
0xa7: {  	[sflag:s24] =	ssyncset.done $0x0  }
0xa8: {  	[sflag:s24] =	ssyncadd.s32 $0xFFFFFF00  }
0xa9: {  	_ =	swait.ge [sflag:s1], $0x4000  }
0xaa: {  	[sflag:s1] =	ssyncset.done $0x0  }
0xab: {  	[sflag:s1] =	ssyncadd.s32 $0xFFFFC000  }
0xac: {  	[tilespmem:s21], [sflag:$0x2] =	stream.indirect.gather [hbm4b:s0+s25], $0x80, s26, s25, $0xb8;
	[tilespmem:$0x1EC00] =	vst v63  }
0xad: {  	_ = 	snop  }
0xae: {  	[spmem:s3] =	stream.indirect.scatter.add.f32 [tilespmem:s29], [sflag:$0x3], $0x80, s30, s25, $0xb8;
	[tilespmem:$0x1EC00] =	vst v63  }
0xaf: {  	s13 =	sadd.s32 $0x1400, s11  }
0xb0: {  	[tilespmem:s31], [sflag:$0x1] =	stream.linear.gather [hbm4b:s13+s4], $0x100, $0x38;
	[tilespmem:$0x1EC00] =	vst v63  }
0xb1: {  	v2 =	vld [tilespmem:$0x14080];
	_ =	sdelay $0x7  }
0xb2: {  	[tilespmem:v2+s2+$0x0] =	vst.idx.add.f32.msk $0xffff, v1  }
0xb3: {  	v2 =	vld [tilespmem:$0x14090];
	_ =	sdelay $0x7  }
0xb4: {  	[tilespmem:v2+s2+$0x0] =	vst.idx.add.f32.msk $0xffff, v1  }
0xb5: {  	v2 =	vld [tilespmem:$0x140A0];
	_ =	sdelay $0x7  }
0xb6: {  	[tilespmem:v2+s2+$0x0] =	vst.idx.add.f32.msk $0xffff, v1  }
0xb7: {  	v2 =	vld [tilespmem:$0x140B0];
	_ =	sdelay $0x7  }
0xb8: {  	[tilespmem:v2+s2+$0x0] =	vst.idx.add.f32.msk $0xffff, v1  }
0xb9: {  	v2 =	vld [tilespmem:$0x140C0];
	_ =	sdelay $0x7  }
0xba: {  	[tilespmem:v2+s2+$0x0] =	vst.idx.add.f32.msk $0xffff, v1  }
0xbb: {  	v2 =	vld [tilespmem:$0x140D0];
	_ =	sdelay $0x7  }
0xbc: {  	[tilespmem:v2+s2+$0x0] =	vst.idx.add.f32.msk $0xffff, v1  }
0xbd: {  	v2 =	vld [tilespmem:$0x140E0];
	_ =	sdelay $0x7  }
0xbe: {  	[tilespmem:v2+s2+$0x0] =	vst.idx.add.f32.msk $0xffff, v1  }
0xbf: {  	v2 =	vld [tilespmem:$0x140F0];
	_ =	sdelay $0x7  }
0xc0: {  	[tilespmem:v2+s2+$0x0] =	vst.idx.add.f32.msk $0xffff, v1  }
0xc1: {  	_ =	swait.ge [sflag:s28], $0x4000  }
0xc2: {  	[sflag:s28] =	ssyncset.done $0x0  }
0xc3: {  	[sflag:s28] =	ssyncadd.s32 $0xFFFFC000  }
0xc4: {  	_ =	swait.ge [sflag:s24], $0x100  }
0xc5: {  	[sflag:s24] =	ssyncset.done $0x0  }
0xc6: {  	[sflag:s24] =	ssyncadd.s32 $0xFFFFFF00  }
0xc7: {  	_ =	swait.ge [sflag:s1], $0x4000  }
0xc8: {  	[sflag:s1] =	ssyncset.done $0x0  }
0xc9: {  	[sflag:s1] =	ssyncadd.s32 $0xFFFFC000  }
0xca: {  	[tilespmem:s29], [sflag:$0x2] =	stream.indirect.gather [hbm4b:s0+s25], $0x80, s31, s25, $0xb8;
	[tilespmem:$0x1EC00] =	vst v63  }
0xcb: {  	_ = 	snop  }
0xcc: {  	[spmem:s3] =	stream.indirect.scatter.add.f32 [tilespmem:s21], [sflag:$0x3], $0x80, s6, s25, $0xb8;
	[tilespmem:$0x1EC00] =	vst v63  }
0xcd: {  	s13 =	sadd.s32 $0x1800, s11  }
0xce: {  	[tilespmem:s23], [sflag:$0x1] =	stream.linear.gather [hbm4b:s13+s4], $0x100, $0x38;
	[tilespmem:$0x1EC00] =	vst v63  }
0xcf: {  	v2 =	vld [tilespmem:$0x18180];
	_ =	sdelay $0x7  }
0xd0: {  	[tilespmem:v2+s2+$0x0] =	vst.idx.add.f32.msk $0xffff, v1  }
0xd1: {  	v2 =	vld [tilespmem:$0x18190];
	_ =	sdelay $0x7  }
0xd2: {  	[tilespmem:v2+s2+$0x0] =	vst.idx.add.f32.msk $0xffff, v1  }
0xd3: {  	v2 =	vld [tilespmem:$0x181A0];
	_ =	sdelay $0x7  }
0xd4: {  	[tilespmem:v2+s2+$0x0] =	vst.idx.add.f32.msk $0xffff, v1  }
0xd5: {  	v2 =	vld [tilespmem:$0x181B0];
	_ =	sdelay $0x7  }
0xd6: {  	[tilespmem:v2+s2+$0x0] =	vst.idx.add.f32.msk $0xffff, v1  }
0xd7: {  	v2 =	vld [tilespmem:$0x181C0];
	_ =	sdelay $0x7  }
0xd8: {  	[tilespmem:v2+s2+$0x0] =	vst.idx.add.f32.msk $0xffff, v1  }
0xd9: {  	v2 =	vld [tilespmem:$0x181D0];
	_ =	sdelay $0x7  }
0xda: {  	[tilespmem:v2+s2+$0x0] =	vst.idx.add.f32.msk $0xffff, v1  }
0xdb: {  	v2 =	vld [tilespmem:$0x181E0];
	_ =	sdelay $0x7  }
0xdc: {  	[tilespmem:v2+s2+$0x0] =	vst.idx.add.f32.msk $0xffff, v1  }
0xdd: {  	v2 =	vld [tilespmem:$0x181F0];
	_ =	sdelay $0x7  }
0xde: {  	[tilespmem:v2+s2+$0x0] =	vst.idx.add.f32.msk $0xffff, v1  }
0xdf: {  	_ =	swait.ge [sflag:s28], $0x4000  }
0xe0: {  	[sflag:s28] =	ssyncset.done $0x0  }
0xe1: {  	[sflag:s28] =	ssyncadd.s32 $0xFFFFC000  }
0xe2: {  	_ =	swait.ge [sflag:s24], $0x100  }
0xe3: {  	[sflag:s24] =	ssyncset.done $0x0  }
0xe4: {  	[sflag:s24] =	ssyncadd.s32 $0xFFFFFF00  }
0xe5: {  	_ =	swait.ge [sflag:s1], $0x4000  }
0xe6: {  	[sflag:s1] =	ssyncset.done $0x0  }
0xe7: {  	[sflag:s1] =	ssyncadd.s32 $0xFFFFC000  }
0xe8: {  	[tilespmem:s21], [sflag:$0x2] =	stream.indirect.gather [hbm4b:s0+s25], $0x80, s23, s25, $0xb8;
	[tilespmem:$0x1EC00] =	vst v63  }
0xe9: {  	_ = 	snop  }
0xea: {  	[spmem:s3] =	stream.indirect.scatter.add.f32 [tilespmem:s29], [sflag:$0x3], $0x80, s7, s25, $0xb8;
	[tilespmem:$0x1EC00] =	vst v63  }
0xeb: {  	s13 =	sadd.s32 $0x1C00, s11  }
0xec: {  	[tilespmem:s26], [sflag:$0x1] =	stream.linear.gather [hbm4b:s13+s4], $0x100, $0x38;
	[tilespmem:$0x1EC00] =	vst v63  }
0xed: {  	v2 =	vld [tilespmem:$0x1C280];
	_ =	sdelay $0x7  }
0xee: {  	[tilespmem:v2+s2+$0x0] =	vst.idx.add.f32.msk $0xffff, v1  }
0xef: {  	v2 =	vld [tilespmem:$0x1C290];
	_ =	sdelay $0x7  }
0xf0: {  	[tilespmem:v2+s2+$0x0] =	vst.idx.add.f32.msk $0xffff, v1  }
0xf1: {  	v2 =	vld [tilespmem:$0x1C2A0];
	_ =	sdelay $0x7  }
0xf2: {  	[tilespmem:v2+s2+$0x0] =	vst.idx.add.f32.msk $0xffff, v1  }
0xf3: {  	v2 =	vld [tilespmem:$0x1C2B0];
	_ =	sdelay $0x7  }
0xf4: {  	[tilespmem:v2+s2+$0x0] =	vst.idx.add.f32.msk $0xffff, v1  }
0xf5: {  	v2 =	vld [tilespmem:$0x1C2C0];
	_ =	sdelay $0x7  }
0xf6: {  	[tilespmem:v2+s2+$0x0] =	vst.idx.add.f32.msk $0xffff, v1  }
0xf7: {  	v2 =	vld [tilespmem:$0x1C2D0];
	_ =	sdelay $0x7  }
0xf8: {  	[tilespmem:v2+s2+$0x0] =	vst.idx.add.f32.msk $0xffff, v1  }
0xf9: {  	v2 =	vld [tilespmem:$0x1C2E0];
	_ =	sdelay $0x7  }
0xfa: {  	[tilespmem:v2+s2+$0x0] =	vst.idx.add.f32.msk $0xffff, v1  }
0xfb: {  	v2 =	vld [tilespmem:$0x1C2F0];
	_ =	sdelay $0x7  }
0xfc: {  	[tilespmem:v2+s2+$0x0] =	vst.idx.add.f32.msk $0xffff, v1  }
0xfd: {  	_ =	swait.ge [sflag:s28], $0x4000  }
0xfe: {  	[sflag:s28] =	ssyncset.done $0x0  }
0xff: {  	[sflag:s28] =	ssyncadd.s32 $0xFFFFC000  }
0x100: {  	_ =	swait.ge [sflag:s24], $0x100  }
0x101: {  	[sflag:s24] =	ssyncset.done $0x0  }
0x102: {  	[sflag:s24] =	ssyncadd.s32 $0xFFFFFF00  }
0x103: {  	_ =	swait.ge [sflag:s1], $0x4000  }
0x104: {  	[sflag:s1] =	ssyncset.done $0x0  }
0x105: {  	[sflag:s1] =	ssyncadd.s32 $0xFFFFC000  }
0x106: {  	[tilespmem:s29], [sflag:$0x2] =	stream.indirect.gather [hbm4b:s0+s25], $0x80, s26, s25, $0xb8;
	[tilespmem:$0x1EC00] =	vst v63  }
0x107: {  	_ = 	snop  }
0x108: {  	[spmem:s3] =	stream.indirect.scatter.add.f32 [tilespmem:s21], [sflag:$0x3], $0x80, s30, s25, $0xb8;
	[tilespmem:$0x1EC00] =	vst v63  }
0x109: {  	s11 =	sadd.s32 $0x2000, s11  }
0x10a: {  	[tilespmem:s31], [sflag:$0x1] =	stream.linear.gather [hbm4b:s11+s4], $0x100, $0x38;
	[tilespmem:$0x1EC00] =	vst v63  }
0x10b: {  	v2 =	vld [tilespmem:$0x14080];
	_ =	sdelay $0x7  }
0x10c: {  	[tilespmem:v2+s2+$0x0] =	vst.idx.add.f32.msk $0xffff, v1  }
0x10d: {  	v2 =	vld [tilespmem:$0x14090];
	_ =	sdelay $0x7  }
0x10e: {  	[tilespmem:v2+s2+$0x0] =	vst.idx.add.f32.msk $0xffff, v1  }
0x10f: {  	v2 =	vld [tilespmem:$0x140A0];
	_ =	sdelay $0x7  }
0x110: {  	[tilespmem:v2+s2+$0x0] =	vst.idx.add.f32.msk $0xffff, v1  }
0x111: {  	v2 =	vld [tilespmem:$0x140B0];
	_ =	sdelay $0x7  }
0x112: {  	[tilespmem:v2+s2+$0x0] =	vst.idx.add.f32.msk $0xffff, v1  }
0x113: {  	v2 =	vld [tilespmem:$0x140C0];
	_ =	sdelay $0x7  }
0x114: {  	[tilespmem:v2+s2+$0x0] =	vst.idx.add.f32.msk $0xffff, v1  }
0x115: {  	v2 =	vld [tilespmem:$0x140D0];
	_ =	sdelay $0x7  }
0x116: {  	[tilespmem:v2+s2+$0x0] =	vst.idx.add.f32.msk $0xffff, v1  }
0x117: {  	v2 =	vld [tilespmem:$0x140E0];
	_ =	sdelay $0x7  }
0x118: {  	[tilespmem:v2+s2+$0x0] =	vst.idx.add.f32.msk $0xffff, v1  }
0x119: {  	v2 =	vld [tilespmem:$0x140F0];
	_ =	sdelay $0x2  }
0x11a: {  	p1 =	sne.s32 s9, $0x10800  }
.Ltmp2:
0x11b: {  	_ = 	snop;
	(pc) =	sbr.rel @p1 .LBB2_6-.Ltmp2, $2  }
0x11c: {  	_ =	sdelay $0x2  }
0x11d: {  	s9 =	sadd.s32 $0x1800, s9;
	[tilespmem:v2+s2+$0x0] =	vst.idx.add.f32.msk $0xffff, v1  }
0x11e: {  	_ =	swait.ge [sflag:s28], $0x4000  }
0x11f: {  	[sflag:s28] =	ssyncset.done $0x0  }
0x120: {  	[sflag:s28] =	ssyncadd.s32 $0xFFFFC000  }
0x121: {  	_ =	swait.ge [sflag:s24], $0x100  }
0x122: {  	[sflag:s24] =	ssyncset.done $0x0  }
0x123: {  	[sflag:s24] =	ssyncadd.s32 $0xFFFFFF00  }
0x124: {  	_ =	swait.ge [sflag:s1], $0x4000  }
0x125: {  	[sflag:s1] =	ssyncset.done $0x0  }
0x126: {  	[sflag:s1] =	ssyncadd.s32 $0xFFFFC000  }
0x127: {  	[tilespmem:s21], [sflag:$0x2] =	stream.indirect.gather [hbm4b:s0+s25], $0x80, s31, s25, $0xb8;
	[tilespmem:$0x1EC00] =	vst v63  }
0x128: {  	_ = 	snop  }
0x129: {  	[spmem:s3] =	stream.indirect.scatter.add.f32 [tilespmem:s29], [sflag:$0x3], $0x80, s6, s25, $0xb8;
	[tilespmem:$0x1EC00] =	vst v63  }
0x12a: {  	s9 =	rddreg [dreg:$0xc]  }
0x12b: {  	[tilespmem:s23], [sflag:$0x1] =	stream.linear.gather [hbm4b:s9+s4], $0x100, $0x38;
	[tilespmem:$0x1EC00] =	vst v63  }
0x12c: {  	v2 =	vld [tilespmem:$0x18180];
	_ =	sdelay $0x7  }
0x12d: {  	[tilespmem:v2+s2+$0x0] =	vst.idx.add.f32.msk $0xffff, v1  }
0x12e: {  	v2 =	vld [tilespmem:$0x18190];
	_ =	sdelay $0x7  }
0x12f: {  	[tilespmem:v2+s2+$0x0] =	vst.idx.add.f32.msk $0xffff, v1  }
0x130: {  	v2 =	vld [tilespmem:$0x181A0];
	_ =	sdelay $0x7  }
0x131: {  	[tilespmem:v2+s2+$0x0] =	vst.idx.add.f32.msk $0xffff, v1  }
0x132: {  	v2 =	vld [tilespmem:$0x181B0];
	_ =	sdelay $0x7  }
0x133: {  	[tilespmem:v2+s2+$0x0] =	vst.idx.add.f32.msk $0xffff, v1  }
0x134: {  	v2 =	vld [tilespmem:$0x181C0];
	_ =	sdelay $0x7  }
0x135: {  	[tilespmem:v2+s2+$0x0] =	vst.idx.add.f32.msk $0xffff, v1  }
0x136: {  	v2 =	vld [tilespmem:$0x181D0];
	_ =	sdelay $0x7  }
0x137: {  	[tilespmem:v2+s2+$0x0] =	vst.idx.add.f32.msk $0xffff, v1  }
0x138: {  	v2 =	vld [tilespmem:$0x181E0];
	_ =	sdelay $0x7  }
0x139: {  	[tilespmem:v2+s2+$0x0] =	vst.idx.add.f32.msk $0xffff, v1  }
0x13a: {  	v2 =	vld [tilespmem:$0x181F0];
	_ =	sdelay $0x7  }
0x13b: {  	[tilespmem:v2+s2+$0x0] =	vst.idx.add.f32.msk $0xffff, v1  }
0x13c: {  	_ =	swait.ge [sflag:s28], $0x4000  }
0x13d: {  	[sflag:s28] =	ssyncset.done $0x0  }
0x13e: {  	[sflag:s28] =	ssyncadd.s32 $0xFFFFC000  }
0x13f: {  	_ =	swait.ge [sflag:s24], $0x100  }
0x140: {  	[sflag:s24] =	ssyncset.done $0x0  }
0x141: {  	[sflag:s24] =	ssyncadd.s32 $0xFFFFFF00  }
0x142: {  	_ =	swait.ge [sflag:s1], $0x4000  }
0x143: {  	[sflag:s1] =	ssyncset.done $0x0  }
0x144: {  	[sflag:s1] =	ssyncadd.s32 $0xFFFFC000  }
0x145: {  	[tilespmem:s29], [sflag:$0x2] =	stream.indirect.gather [hbm4b:s0+s25], $0x80, s23, s25, $0xb8;
	[tilespmem:$0x1EC00] =	vst v63  }
0x146: {  	_ = 	snop  }
0x147: {  	[spmem:s3] =	stream.indirect.scatter.add.f32 [tilespmem:s21], [sflag:$0x3], $0x80, s7, s25, $0xb8;
	[tilespmem:$0x1EC00] =	vst v63  }
0x148: {  	_ = 	snop  }
0x149: {  	[tilespmem:s26], [sflag:$0x1] =	stream.linear.gather [hbm4b:s14+s4], $0x100, $0x38;
	[tilespmem:$0x1EC00] =	vst v63  }
0x14a: {  	v2 =	vld [tilespmem:$0x1C280];
	_ =	sdelay $0x7  }
0x14b: {  	[tilespmem:v2+s2+$0x0] =	vst.idx.add.f32.msk $0xffff, v1  }
0x14c: {  	v2 =	vld [tilespmem:$0x1C290];
	_ =	sdelay $0x7  }
0x14d: {  	[tilespmem:v2+s2+$0x0] =	vst.idx.add.f32.msk $0xffff, v1  }
0x14e: {  	v2 =	vld [tilespmem:$0x1C2A0];
	_ =	sdelay $0x7  }
0x14f: {  	[tilespmem:v2+s2+$0x0] =	vst.idx.add.f32.msk $0xffff, v1  }
0x150: {  	v2 =	vld [tilespmem:$0x1C2B0];
	_ =	sdelay $0x7  }
0x151: {  	[tilespmem:v2+s2+$0x0] =	vst.idx.add.f32.msk $0xffff, v1  }
0x152: {  	v2 =	vld [tilespmem:$0x1C2C0];
	_ =	sdelay $0x7  }
0x153: {  	[tilespmem:v2+s2+$0x0] =	vst.idx.add.f32.msk $0xffff, v1  }
0x154: {  	v2 =	vld [tilespmem:$0x1C2D0];
	_ =	sdelay $0x7  }
0x155: {  	[tilespmem:v2+s2+$0x0] =	vst.idx.add.f32.msk $0xffff, v1  }
0x156: {  	v2 =	vld [tilespmem:$0x1C2E0];
	_ =	sdelay $0x7  }
0x157: {  	[tilespmem:v2+s2+$0x0] =	vst.idx.add.f32.msk $0xffff, v1  }
0x158: {  	v2 =	vld [tilespmem:$0x1C2F0];
	_ =	sdelay $0x7  }
0x159: {  	[tilespmem:v2+s2+$0x0] =	vst.idx.add.f32.msk $0xffff, v1  }
0x15a: {  	_ =	swait.ge [sflag:s28], $0x4000  }
0x15b: {  	[sflag:s28] =	ssyncset.done $0x0  }
0x15c: {  	[sflag:s28] =	ssyncadd.s32 $0xFFFFC000  }
0x15d: {  	_ =	swait.ge [sflag:s24], $0x100  }
0x15e: {  	[sflag:s24] =	ssyncset.done $0x0  }
0x15f: {  	[sflag:s24] =	ssyncadd.s32 $0xFFFFFF00  }
0x160: {  	_ =	swait.ge [sflag:s1], $0x4000  }
0x161: {  	[sflag:s1] =	ssyncset.done $0x0  }
0x162: {  	[sflag:s1] =	ssyncadd.s32 $0xFFFFC000  }
0x163: {  	[tilespmem:s21], [sflag:$0x2] =	stream.indirect.gather [hbm4b:s0+s25], $0x80, s26, s25, $0xb8;
	[tilespmem:$0x1EC00] =	vst v63  }
0x164: {  	_ = 	snop  }
0x165: {  	[spmem:s3] =	stream.indirect.scatter.add.f32 [tilespmem:s29], [sflag:$0x3], $0x80, s30, s25, $0xb8;
	[tilespmem:$0x1EC00] =	vst v63  }
0x166: {  	_ = 	snop  }
0x167: {  	[tilespmem:s31], [sflag:$0x1] =	stream.linear.gather [hbm4b:s15+s4], $0x100, $0x38;
	[tilespmem:$0x1EC00] =	vst v63  }
0x168: {  	v2 =	vld [tilespmem:$0x14080];
	_ =	sdelay $0x7  }
0x169: {  	[tilespmem:v2+s2+$0x0] =	vst.idx.add.f32.msk $0xffff, v1  }
0x16a: {  	v2 =	vld [tilespmem:$0x14090];
	_ =	sdelay $0x7  }
0x16b: {  	[tilespmem:v2+s2+$0x0] =	vst.idx.add.f32.msk $0xffff, v1  }
0x16c: {  	v2 =	vld [tilespmem:$0x140A0];
	_ =	sdelay $0x7  }
0x16d: {  	[tilespmem:v2+s2+$0x0] =	vst.idx.add.f32.msk $0xffff, v1  }
0x16e: {  	v2 =	vld [tilespmem:$0x140B0];
	_ =	sdelay $0x7  }
0x16f: {  	[tilespmem:v2+s2+$0x0] =	vst.idx.add.f32.msk $0xffff, v1  }
0x170: {  	v2 =	vld [tilespmem:$0x140C0];
	_ =	sdelay $0x7  }
0x171: {  	[tilespmem:v2+s2+$0x0] =	vst.idx.add.f32.msk $0xffff, v1  }
0x172: {  	v2 =	vld [tilespmem:$0x140D0];
	_ =	sdelay $0x7  }
0x173: {  	[tilespmem:v2+s2+$0x0] =	vst.idx.add.f32.msk $0xffff, v1  }
0x174: {  	v2 =	vld [tilespmem:$0x140E0];
	_ =	sdelay $0x7  }
0x175: {  	[tilespmem:v2+s2+$0x0] =	vst.idx.add.f32.msk $0xffff, v1  }
0x176: {  	v2 =	vld [tilespmem:$0x140F0];
	_ =	sdelay $0x7  }
0x177: {  	[tilespmem:v2+s2+$0x0] =	vst.idx.add.f32.msk $0xffff, v1  }
0x178: {  	_ =	swait.ge [sflag:s28], $0x4000  }
0x179: {  	[sflag:s28] =	ssyncset.done $0x0  }
0x17a: {  	[sflag:s28] =	ssyncadd.s32 $0xFFFFC000  }
0x17b: {  	_ =	swait.ge [sflag:s24], $0x100  }
0x17c: {  	[sflag:s24] =	ssyncset.done $0x0  }
0x17d: {  	[sflag:s24] =	ssyncadd.s32 $0xFFFFFF00  }
0x17e: {  	_ =	swait.ge [sflag:s1], $0x4000  }
0x17f: {  	[sflag:s1] =	ssyncset.done $0x0  }
0x180: {  	[sflag:s1] =	ssyncadd.s32 $0xFFFFC000  }
0x181: {  	[tilespmem:s29], [sflag:$0x2] =	stream.indirect.gather [hbm4b:s0+s25], $0x80, s31, s25, $0xb8;
	[tilespmem:$0x1EC00] =	vst v63  }
0x182: {  	_ = 	snop  }
0x183: {  	[spmem:s3] =	stream.indirect.scatter.add.f32 [tilespmem:s21], [sflag:$0x3], $0x80, s6, s25, $0xb8;
	[tilespmem:$0x1EC00] =	vst v63  }
0x184: {  	v2 =	vld [tilespmem:$0x18180];
	_ =	sdelay $0x7  }
0x185: {  	[tilespmem:v2+s2+$0x0] =	vst.idx.add.f32.msk $0xffff, v1  }
0x186: {  	v2 =	vld [tilespmem:$0x18190];
	_ =	sdelay $0x7  }
0x187: {  	[tilespmem:v2+s2+$0x0] =	vst.idx.add.f32.msk $0xffff, v1  }
0x188: {  	v2 =	vld [tilespmem:$0x181A0];
	_ =	sdelay $0x7  }
0x189: {  	[tilespmem:v2+s2+$0x0] =	vst.idx.add.f32.msk $0xffff, v1  }
0x18a: {  	v2 =	vld [tilespmem:$0x181B0];
	_ =	sdelay $0x7  }
0x18b: {  	[tilespmem:v2+s2+$0x0] =	vst.idx.add.f32.msk $0xffff, v1  }
0x18c: {  	v2 =	vld [tilespmem:$0x181C0];
	_ =	sdelay $0x7  }
0x18d: {  	[tilespmem:v2+s2+$0x0] =	vst.idx.add.f32.msk $0xffff, v1  }
0x18e: {  	v2 =	vld [tilespmem:$0x181D0];
	_ =	sdelay $0x7  }
0x18f: {  	[tilespmem:v2+s2+$0x0] =	vst.idx.add.f32.msk $0xffff, v1  }
0x190: {  	v2 =	vld [tilespmem:$0x181E0];
	_ =	sdelay $0x7  }
0x191: {  	[tilespmem:v2+s2+$0x0] =	vst.idx.add.f32.msk $0xffff, v1  }
0x192: {  	v2 =	vld [tilespmem:$0x181F0];
	_ =	sdelay $0x7  }
0x193: {  	[tilespmem:v2+s2+$0x0] =	vst.idx.add.f32.msk $0xffff, v1  }
0x194: {  	_ =	swait.ge [sflag:s28], $0x4000  }
0x195: {  	[sflag:s28] =	ssyncset.done $0x0  }
0x196: {  	[sflag:s28] =	ssyncadd.s32 $0xFFFFC000  }
0x197: {  	_ =	swait.ge [sflag:s1], $0x4000  }
0x198: {  	[sflag:s1] =	ssyncset.done $0x0  }
0x199: {  	[sflag:s1] =	ssyncadd.s32 $0xFFFFC000  }
0x19a: {  	[spmem:s3] =	stream.indirect.scatter.add.f32 [tilespmem:s29], [sflag:$0x3], $0x80, s7, s25, $0xb8;
	[tilespmem:$0x1EC00] =	vst v63  }
0x19b: {  	v2 =	vld [tilespmem:$0x1C280];
	_ =	sdelay $0x7  }
0x19c: {  	[tilespmem:v2+s2+$0x0] =	vst.idx.add.f32.msk $0xffff, v1  }
0x19d: {  	v2 =	vld [tilespmem:$0x1C290];
	_ =	sdelay $0x7  }
0x19e: {  	[tilespmem:v2+s2+$0x0] =	vst.idx.add.f32.msk $0xffff, v1  }
0x19f: {  	v2 =	vld [tilespmem:$0x1C2A0];
	_ =	sdelay $0x7  }
0x1a0: {  	[tilespmem:v2+s2+$0x0] =	vst.idx.add.f32.msk $0xffff, v1  }
0x1a1: {  	v2 =	vld [tilespmem:$0x1C2B0];
	_ =	sdelay $0x7  }
0x1a2: {  	[tilespmem:v2+s2+$0x0] =	vst.idx.add.f32.msk $0xffff, v1  }
0x1a3: {  	v2 =	vld [tilespmem:$0x1C2C0];
	_ =	sdelay $0x7  }
0x1a4: {  	[tilespmem:v2+s2+$0x0] =	vst.idx.add.f32.msk $0xffff, v1  }
0x1a5: {  	v2 =	vld [tilespmem:$0x1C2D0];
	_ =	sdelay $0x7  }
0x1a6: {  	[tilespmem:v2+s2+$0x0] =	vst.idx.add.f32.msk $0xffff, v1  }
0x1a7: {  	v2 =	vld [tilespmem:$0x1C2E0];
	_ =	sdelay $0x7  }
0x1a8: {  	[tilespmem:v2+s2+$0x0] =	vst.idx.add.f32.msk $0xffff, v1  }
0x1a9: {  	v2 =	vld [tilespmem:$0x1C2F0];
	_ =	sdelay $0x7  }
0x1aa: {  	[tilespmem:v2+s2+$0x0] =	vst.idx.add.f32.msk $0xffff, v1  }
0x1ab: {  	_ =	swait.ge [sflag:s1], $0x4000  }
0x1ac: {  	[sflag:s1] =	ssyncset.done $0x0  }
0x1ad: {  	s11 =	simm.s32 @!p0 $0x1C300;
	s9 =	simm.s32 @!p0 $0x0;
	[sflag:s1] =	ssyncadd.s32 $0xFFFFC000  }
0x1ae: {  	[tilespmem:s11], [sflag:$0x4] =	stream.linear.gather @!p0 [hbm4b:s16+s9], $0x100, $0x38;
	[tilespmem:$0x1EC00] =	vst v63  }
0x1af: {  	s9 =	simm.s32 @!p0 $0x4  }
0x1b0: {  	_ =	swait.ge @!p0 [sflag:s9], $0x100  }
0x1b1: {  	[sflag:s9] =	ssyncset.done @!p0 $0x0  }
0x1b2: {  	s12 =	simm.s32 @!p0 $0x80;
	s13 =	simm.s32 @!p0 $0x14100;
	[sflag:s9] =	ssyncadd.s32 @!p0 $0xFFFFFF00  }
0x1b3: {  	[tilespmem:s13], [sflag:$0x2] =	stream.indirect.gather @!p0 [hbm4b:s0+s12], $0x80, s11, s12, $0xb8;
	[tilespmem:$0x1EC00] =	vst v63  }
0x1b4: {  	s11 =	simm.s32 @!p0 $0x2  }
0x1b5: {  	_ =	swait.ge @!p0 [sflag:s11], $0x4000  }
0x1b6: {  	[sflag:s11] =	ssyncset.done @!p0 $0x0  }
0x1b7: {  	[sflag:s11] =	ssyncadd.s32 @!p0 $0xFFFFC000;
	s11 =	simm.s32 @!p0 $0x1C380  }
0x1b8: {  	[spmem:s3] =	stream.indirect.scatter.add.f32 @!p0 [tilespmem:s13], [sflag:$0x4], $0x80, s11, s12, $0xb8;
	[tilespmem:$0x1EC00] =	vst v63  }
0x1b9: {  	_ =	swait.ge @!p0 [sflag:s9], $0x4000  }
0x1ba: {  	[sflag:s9] =	ssyncset.done @!p0 $0x0  }
0x1bb: {  	[sflag:s9] =	ssyncadd.s32 @!p0 $0xFFFFC000  }
0x1bc: {  	v2 =	vld @!p0 [tilespmem:$0x1C380];
	_ =	sdelay $0x6  }
0x1bd: {  	v3 =	vimm.f32 @!p0 $1.000000000e+00;
	s9 =	simm.s32 @!p0 $0x1C400  }
0x1be: {  	[tilespmem:v2+s9+$0x0] =	vst.idx.add.f32.msk @!p0 $0xffff, v3  }
0x1bf: {  	v2 =	vld @!p0 [tilespmem:$0x1C390];
	_ =	sdelay $0x7  }
0x1c0: {  	[tilespmem:v2+s9+$0x0] =	vst.idx.add.f32.msk @!p0 $0xffff, v3  }
0x1c1: {  	v2 =	vld @!p0 [tilespmem:$0x1C3A0];
	_ =	sdelay $0x7  }
0x1c2: {  	[tilespmem:v2+s9+$0x0] =	vst.idx.add.f32.msk @!p0 $0xffff, v3  }
0x1c3: {  	v2 =	vld @!p0 [tilespmem:$0x1C3B0];
	_ =	sdelay $0x7  }
0x1c4: {  	[tilespmem:v2+s9+$0x0] =	vst.idx.add.f32.msk @!p0 $0xffff, v3  }
0x1c5: {  	v2 =	vld @!p0 [tilespmem:$0x1C3C0];
	_ =	sdelay $0x7  }
0x1c6: {  	[tilespmem:v2+s9+$0x0] =	vst.idx.add.f32.msk @!p0 $0xffff, v3  }
0x1c7: {  	v2 =	vld @!p0 [tilespmem:$0x1C3D0];
	_ =	sdelay $0x7  }
0x1c8: {  	[tilespmem:v2+s9+$0x0] =	vst.idx.add.f32.msk @!p0 $0xffff, v3  }
0x1c9: {  	v2 =	vld @!p0 [tilespmem:$0x1C3E0];
	_ =	sdelay $0x7  }
0x1ca: {  	[tilespmem:v2+s9+$0x0] =	vst.idx.add.f32.msk @!p0 $0xffff, v3  }
0x1cb: {  	v2 =	vld @!p0 [tilespmem:$0x1C3F0];
	_ =	sdelay $0x7  }
0x1cc: {  	[tilespmem:v2+s9+$0x0] =	vst.idx.add.f32.msk @!p0 $0xffff, v3  }
0x1cd: {  	[hbm4b:s17+s4] =	stream.linear.scatter [tilespmem:s2], [sflag:$0x4], $0x2800, $0x38;
	[tilespmem:$0x1EC00] =	vst v63  }
0x1ce: {  	s8 =	sadd.s32 $0x1, s8;
	_ =	swait.ge [sflag:s22], $0x2800  }
0x1cf: {  	p1 =	sne.s32 s8, s19;
	s12 =	stileid.u32;
	[sflag:s22] =	ssyncset.done $0x0  }
0x1d0: {  	s13 =	sshrl.u32 s5, $0x3;
	s9 =	sshll.u32 s12, $0x6;
	[sflag:s22] =	ssyncadd.s32 $0xFFFFD800  }
.Ltmp3:
0x1d1: {  	s9 =	sor.u32 $0x1C04, s9;
	[bflag:$0x0] =	sbarrier.arrive $0xFFFF;
	(pc) =	sbr.rel @p1 .LBB2_1-.Ltmp3, $4  }
0x1d2: {  	[hbm:s18], [sflag:s9] =	dma.local [spmem:s13], $0x2800  }
0x1d3: {  	_ =	swait.ge [sflag:s22], $0x2800  }
0x1d4: {  	[sflag:s22] =	ssyncset.done $0x0  }
0x1d5: {  	[sflag:s22] =	ssyncadd.s32 $0xFFFFD800  }
0x1d6: {  	_ =	sfence.sel $0x180000  }
0x1d7: {  	[bflag:$0x0] =	sbarrier.arrive $0xFFFF  }
0x1d8: {  	_ =	strace $0x90000047  }
0x1d9: {  	s0 =	stileid.u32;
	[bflag:$0x2] =	sbarrier.arrive $0xFFFF  }
0x1da: {  	p0 =	sne.s32 s0, $0x0;
	s0 =	rddreg [dreg:$0x5]  }
0x1db: {  	s0 =	sadd.s32 @!p0 $0x100000, s0  }
0x1dc: {  	[sflag:s0] =	ssyncadd.tile.s32 @!p0 $0x1;
	_ =	shalt  }
.Lfunc_end2:
_tile_overlayer_lowered:
.L_overlay_start_2:
0x1dd: {  	(tag) =	ssettag $0x2  }
0x1de: {  	s0 =	rddreg [dreg:$0x0];
	s2 =	stileid.u32  }
0x1df: {  	s1 =	rddreg [dreg:$0x1];
	p0 =	sne.s32 s2, $0x0  }
0x1e0: {  	s3 =	rddreg [dreg:$0x2];
	[bflag:$0x3] =	sbarrier.arrive $0xFFFF;
	s2 =	simm.s32 @!p0 $0x1C04  }
0x1e1: {  	[timem:s3], [sflag:s2] =	dma.local @!p0 [hbm:s0], s1  }
0x1e2: {  	s0 =	simm.s32 @!p0 $0x4  }
0x1e3: {  	_ =	swait.ge @!p0 [sflag:s0], s1  }
0x1e4: {  	s1 =	ssub.s32 @!p0 $0x0, s1;
	[sflag:s0] =	ssyncset.done @!p0 $0x0  }
0x1e5: {  	[sflag:s0] =	ssyncadd.s32 @!p0 s1  }
0x1e6: {  	[bflag:$0x3] =	sbarrier.arrive $0xFFFF  }
0x1e7: {  	_ =	shalt  }

</sc_bundles>
